<compile_context>
chip_gen: v7x
topology: tpu7x:2x2x1
jax: 0.10.2.dev20260603
libtpu: 0.0.44.dev20260713+nightly
codegen_flags: <defaults>
</compile_context>

<pallas_src>
import functools

import jax
import jax.numpy as jnp
from jax import lax
from jax.experimental import pallas as pl
from jax.experimental.pallas import tpu as pltpu
from jax.experimental.pallas import tpu_sc as plsc

NC = 2
NS = 16
NW = NC * NS
L = 16

P = 6_400_000
SLOTS_PER_W = P // NW
CHUNK = 4000
N_CHUNKS = SLOTS_PER_W // CHUNK

NNETS = 100_000

NODES_PER_W = 3200
NPAD = NW * NODES_PER_W
NODE_CHUNK = 1600
SPAD_LEN = (NW - 1) * NODES_PER_W + NODE_CHUNK + 1608

_mesh = plsc.VectorSubcoreMesh(core_axis_name="c", subcore_axis_name="s")
_params = pltpu.CompilerParams(needs_layout_passes=False)


def _wid():
    return lax.axis_index("s") * NC + lax.axis_index("c")


@functools.partial(
    pl.kernel,
    out_type=(
        jax.ShapeDtypeStruct((P,), jnp.float32),
        jax.ShapeDtypeStruct((NW, L), jnp.float32),
    ),
    mesh=_mesh,
    compiler_params=_params,
    scratch_types=(
        pltpu.VMEM((NNETS,), jnp.float32),
        pltpu.VMEM((CHUNK,), jnp.int32),
        pltpu.VMEM((CHUNK,), jnp.int32),
        pltpu.VMEM((CHUNK,), jnp.int32),
        pltpu.VMEM((CHUNK,), jnp.int32),
        pltpu.VMEM((CHUNK,), jnp.float32),
        pltpu.VMEM((CHUNK,), jnp.float32),
        pltpu.VMEM((L,), jnp.float32),
        pltpu.SemaphoreType.DMA,
        pltpu.SemaphoreType.DMA,
        pltpu.SemaphoreType.DMA,
        pltpu.SemaphoreType.DMA,
    ),
)
def _phase1(wt_hbm, fnp_hbm, p2n_hbm, cums_hbm, totals_hbm,
            wt_v, fnp0, fnp1, net0, net1, cums0, cums1, tot_v,
            sem0, sem1, csem0, csem1):
    wid = _wid()
    base = wid * SLOTS_PER_W
    pltpu.sync_copy(wt_hbm, wt_v)

    fnp_b = (fnp0, fnp1)
    net_b = (net0, net1)
    sem_b = (sem0, sem1)
    cums_b = (cums0, cums1)
    csem_b = (csem0, csem1)

    def _chunk_dst(k):
        off = pl.multiple_of(base + k * CHUNK, 8)
        return cums_hbm.at[pl.ds(off, CHUNK)]

    def _prefetch(k, b):
        off = pl.multiple_of(base + k * CHUNK, 8)
        pltpu.sync_copy(fnp_hbm.at[pl.ds(off, CHUNK)], fnp_b[b])
        pltpu.async_copy(p2n_hbm.at[fnp_b[b]], net_b[b], sem_b[b])

    def _compute(k, b, carry):
        pltpu.make_async_copy(p2n_hbm.at[fnp_b[b]], net_b[b], sem_b[b]).wait()
        pltpu.make_async_copy(cums_b[b], _chunk_dst(k), csem_b[b]).wait()

        def vec_body(j, cin):
            idx = net_b[b][pl.ds(j * L, L)]
            w = plsc.load_gather(wt_v, [idx])
            cs = plsc.cumsum(w) + cin
            cums_b[b][pl.ds(j * L, L)] = cs
            return cs[L - 1]

        carry = lax.fori_loop(0, CHUNK // L, vec_body, carry, unroll=4)
        pltpu.async_copy(cums_b[b], _chunk_dst(k), csem_b[b])
        return carry

    pltpu.async_copy(cums0, _chunk_dst(0), csem0)
    pltpu.async_copy(cums1, _chunk_dst(1), csem1)
    _prefetch(0, 0)

    def body(c2, carry):
        k0 = 2 * c2
        _prefetch(k0 + 1, 1)
        carry = _compute(k0, 0, carry)

        @pl.when(c2 < N_CHUNKS // 2 - 1)
        def _():
            _prefetch(k0 + 2, 0)

        carry = _compute(k0 + 1, 1, carry)
        return carry

    total = lax.fori_loop(0, N_CHUNKS // 2, body, jnp.float32(0.0))
    pltpu.make_async_copy(cums0, _chunk_dst(N_CHUNKS - 2), csem0).wait()
    pltpu.make_async_copy(cums1, _chunk_dst(N_CHUNKS - 1), csem1).wait()
    tot_v[...] = jnp.full((L,), total, dtype=jnp.float32)
    pltpu.sync_copy(tot_v, totals_hbm.at[wid])


@functools.partial(
    pl.kernel,
    out_type=jax.ShapeDtypeStruct((NPAD,), jnp.float32),
    mesh=_mesh,
    compiler_params=_params,
    scratch_types=(
        pltpu.VMEM((NW,), jnp.float32),
        pltpu.VMEM((NW,), jnp.float32),
        pltpu.VMEM((1608,), jnp.int32),
        pltpu.VMEM((NODE_CHUNK,), jnp.int32),
        pltpu.VMEM((NODE_CHUNK,), jnp.int32),
        pltpu.VMEM((NODE_CHUNK,), jnp.float32),
        pltpu.VMEM((NODE_CHUNK,), jnp.float32),
        pltpu.VMEM((NODE_CHUNK,), jnp.float32),
        pltpu.SemaphoreType.DMA,
    ),
)
def _phase2(cums_hbm, tot32_hbm, start_hbm, out_hbm,
            tot_v, bases_v, sv, eidx, bidx, le_v, lb_v, ov, sem):
    wid = _wid()
    pltpu.sync_copy(tot32_hbm, tot_v)
    t0 = tot_v[pl.ds(0, L)]
    t1 = tot_v[pl.ds(L, L)]
    bases_v[pl.ds(0, L)] = plsc.cumsum(t0) - t0
    bases_v[pl.ds(L, L)] = plsc.cumsum(t1) - t1 + jnp.sum(t0)

    def chunk_body(c, _):
        n0 = pl.multiple_of(wid * NODES_PER_W + c * NODE_CHUNK, 8)
        pltpu.sync_copy(start_hbm.at[pl.ds(n0, 1608)], sv)

        def build(j, _):
            lo = sv[pl.ds(j * L, L)]
            hi = sv[pl.ds(j * L + 1, L)]
            eidx[pl.ds(j * L, L)] = jnp.maximum(hi - 1, 0)
            bidx[pl.ds(j * L, L)] = jnp.maximum(lo - 1, 0)
            return 0

        lax.fori_loop(0, NODE_CHUNK // L, build, 0)
        pltpu.async_copy(cums_hbm.at[eidx], le_v, sem).wait()
        pltpu.async_copy(cums_hbm.at[bidx], lb_v, sem).wait()

        def comp(j, _):
            lo = sv[pl.ds(j * L, L)]
            hi = sv[pl.ds(j * L + 1, L)]
            e = hi - 1
            b = lo - 1
            ec = jnp.maximum(e, 0)
            bc = jnp.maximum(b, 0)
            be = plsc.load_gather(bases_v, [ec // SLOTS_PER_W])
            bb = plsc.load_gather(bases_v, [bc // SLOTS_PER_W])
            ge = jnp.where(e < 0, jnp.float32(0.0), le_v[pl.ds(j * L, L)] + be)
            gb = jnp.where(b < 0, jnp.float32(0.0), lb_v[pl.ds(j * L, L)] + bb)
            ov[pl.ds(j * L, L)] = ge - gb
            return 0

        lax.fori_loop(0, NODE_CHUNK // L, comp, 0)
        pltpu.sync_copy(ov, out_hbm.at[pl.ds(n0, NODE_CHUNK)])
        return 0

    lax.fori_loop(0, NODES_PER_W // NODE_CHUNK, chunk_body, 0)


def kernel(net_weights, flat_nodepin, nodepin_start, pin2net_map, num_nodes):
    n = nodepin_start.shape[0] - 1
    p = flat_nodepin.shape[0]
    fnp = flat_nodepin.astype(jnp.int32)
    p2n = pin2net_map.astype(jnp.int32)
    start_pad = jnp.concatenate([
        nodepin_start.astype(jnp.int32),
        jnp.full((SPAD_LEN - (n + 1),), p, dtype=jnp.int32),
    ])
    cums, totals = _phase1(net_weights, fnp, p2n)
    out_pad = _phase2(cums, totals[:, 0], start_pad)
    return out_pad[:n]

# --- scband reference (transcript-rebuilt; emitter-appended) ---
"""Pipeline reference for scband-pin-weight-sum-77678778515498 (READ-ONLY COPY).

The authoritative reference and input builder live on the scoring server;
editing this copy changes nothing except your own understanding.
"""

import jax, jax.numpy as jnp
import numpy as np

N_NODES = 100000
N_PINS = 6400000
N_NETS = 100000


def setup_inputs(seed: int = 0):
    key = jax.random.key(seed)
    k1, k2, k3 = jax.random.split(key, 3)
    net_weights = jax.random.normal(k1, (N_NETS,), dtype=jnp.float32)
    # flat_nodepin: pins grouped by node; a permutation of all pin ids
    flat_nodepin = jax.random.permutation(k2, N_PINS).astype(jnp.int64)
    # nodepin_start: sorted boundaries, first=0, last=N_PINS
    inner = jnp.sort(jax.random.randint(k3, (N_NODES - 1,), 0, N_PINS))
    nodepin_start = jnp.concatenate([
        jnp.zeros((1,), dtype=jnp.int32),
        inner.astype(jnp.int32),
        jnp.full((1,), N_PINS, dtype=jnp.int32),
    ])
    pin2net_map = jax.random.randint(jax.random.fold_in(key, 7), (N_PINS,), 0, N_NETS).astype(jnp.int64)
    return {
        "net_weights": net_weights,
        "flat_nodepin": flat_nodepin,
        "nodepin_start": nodepin_start,
        "pin2net_map": pin2net_map,
        "num_nodes": N_NODES,
    }


def reference(net_weights, flat_nodepin, nodepin_start, pin2net_map, num_nodes):
    # For node n: output[n] = sum over p in [nodepin_start[n], nodepin_start[n+1])
    #   of net_weights[pin2net_map[flat_nodepin[p]]]
    pin_nets = jnp.take(pin2net_map, flat_nodepin, axis=0)        # [P] net id per pin-slot
    pin_w = jnp.take(net_weights, pin_nets, axis=0)               # [P] gathered net weights
    P = pin_w.shape[0]
    # segment id of each pin-slot position: last node whose start <= position
    seg = jnp.searchsorted(nodepin_start, jnp.arange(P, dtype=nodepin_start.dtype), side='right') - 1
    num_segments = nodepin_start.shape[0] - 1
    seg = jnp.minimum(seg, num_nodes - 1)
    out = jax.ops.segment_sum(pin_w, seg, num_segments=num_segments)  # [num_nodes]
    return out

if __name__ == "__main__":
    import jax
    _d = setup_inputs()
    print(jax.jit(kernel)(*tuple(_d.values())))

</pallas_src>

<mosaic_0001>
#map = affine_map<(d0, d1) -> (0)>
#map1 = affine_map<(d0, d1) -> (0, 0)>
module attributes {stable_mosaic.version = 14 : i64} {
  func.func @_phase1(%arg0: i32, %arg1: i32, %arg2: memref<100000xf32, #tpu.memory_space<hbm>>, %arg3: memref<6400000xi32, #tpu.memory_space<hbm>>, %arg4: memref<6400000xi32, #tpu.memory_space<hbm>>, %arg5: memref<6400000xf32, #tpu.memory_space<hbm>>, %arg6: memref<32x16xf32, #tpu.memory_space<hbm>>, %arg7: memref<100000xf32, #tpu.memory_space<vmem>>, %arg8: memref<4000xi32, #tpu.memory_space<vmem>>, %arg9: memref<4000xi32, #tpu.memory_space<vmem>>, %arg10: memref<4000xi32, #tpu.memory_space<vmem>>, %arg11: memref<4000xi32, #tpu.memory_space<vmem>>, %arg12: memref<4000xf32, #tpu.memory_space<vmem>>, %arg13: memref<4000xf32, #tpu.memory_space<vmem>>, %arg14: memref<16xf32, #tpu.memory_space<vmem>>, %arg15: memref<!tpu.dma_semaphore, #tpu.memory_space<semaphore_mem>>, %arg16: memref<!tpu.dma_semaphore, #tpu.memory_space<semaphore_mem>>, %arg17: memref<!tpu.dma_semaphore, #tpu.memory_space<semaphore_mem>>, %arg18: memref<!tpu.dma_semaphore, #tpu.memory_space<semaphore_mem>>) attributes {dimension_semantics = [#tpu.dimension_semantics<core_parallel>, #tpu.dimension_semantics<subcore_parallel>], iteration_bounds = array<i64: 2, 16>, scalar_prefetch = 0 : i64, scratch_operands = 12 : i64, tpu.core_type = #tpu.core_type<sc_vector_subcore>, window_params = [{transform_indices = #map}, {transform_indices = #map}, {transform_indices = #map}, {transform_indices = #map}, {transform_indices = #map1}]} {
    %mul3A = arith.constant 2 : i32
    %mul3A_0 = arith.muli %arg1, %mul3A : i32
    %add3A = arith.addi %mul3A_0, %arg0 : i32
    %mul3A_1 = arith.constant 200000 : i32
    %mul3A_2 = arith.muli %add3A, %mul3A_1 : i32
    "tpu.region"() ({
      %run_scoped3A = tpu.sem_alloc : memref<!tpu.dma_semaphore, #tpu.memory_space<semaphore_mem>>
      tpu.enqueue_dma source(%arg2 : memref<100000xf32, #tpu.memory_space<hbm>>) target(%arg7 : memref<100000xf32, #tpu.memory_space<vmem>>) target_semaphore(%run_scoped3A : memref<!tpu.dma_semaphore, #tpu.memory_space<semaphore_mem>>)
      tpu.wait_dma2 semaphore(%run_scoped3A : memref<!tpu.dma_semaphore, #tpu.memory_space<semaphore_mem>>) src(%arg2 : memref<100000xf32, #tpu.memory_space<hbm>>) dst(%arg7 : memref<100000xf32, #tpu.memory_space<vmem>>)
      tpu.yield
    }) : () -> ()
    %add3A_3 = arith.constant 0 : i32
    %add3A_4 = arith.addi %mul3A_2, %add3A_3 : i32
    %multiple_of3A = tpu.assume_multiple %add3A_4, 8 : i32
    %dma_start3A = tpu.memref_slice %arg5[%multiple_of3A] : memref<6400000xf32, #tpu.memory_space<hbm>> -> memref<4000xf32, #tpu.memory_space<hbm>>
    %dma_start3A_5 = tpu.memref_slice %arg5[%multiple_of3A] : memref<6400000xf32, #tpu.memory_space<hbm>> -> memref<4000xf32, #tpu.memory_space<hbm>>
    tpu.enqueue_dma source(%arg12 : memref<4000xf32, #tpu.memory_space<vmem>>) target(%dma_start3A_5 : memref<4000xf32, #tpu.memory_space<hbm>>) target_semaphore(%arg17 : memref<!tpu.dma_semaphore, #tpu.memory_space<semaphore_mem>>)
    %add3A_6 = arith.constant 4000 : i32
    %add3A_7 = arith.addi %mul3A_2, %add3A_6 : i32
    %multiple_of3A_8 = tpu.assume_multiple %add3A_7, 8 : i32
    %dma_start3A_9 = tpu.memref_slice %arg5[%multiple_of3A_8] : memref<6400000xf32, #tpu.memory_space<hbm>> -> memref<4000xf32, #tpu.memory_space<hbm>>
    %dma_start3A_10 = tpu.memref_slice %arg5[%multiple_of3A_8] : memref<6400000xf32, #tpu.memory_space<hbm>> -> memref<4000xf32, #tpu.memory_space<hbm>>
    tpu.enqueue_dma source(%arg13 : memref<4000xf32, #tpu.memory_space<vmem>>) target(%dma_start3A_10 : memref<4000xf32, #tpu.memory_space<hbm>>) target_semaphore(%arg18 : memref<!tpu.dma_semaphore, #tpu.memory_space<semaphore_mem>>)
    %add3A_11 = arith.constant 0 : i32
    %add3A_12 = arith.addi %mul3A_2, %add3A_11 : i32
    %multiple_of3A_13 = tpu.assume_multiple %add3A_12, 8 : i32
    "tpu.region"() ({
      %run_scoped3A = tpu.sem_alloc : memref<!tpu.dma_semaphore, #tpu.memory_space<semaphore_mem>>
      %dma_start3A_32 = tpu.memref_slice %arg3[%multiple_of3A_13] : memref<6400000xi32, #tpu.memory_space<hbm>> -> memref<4000xi32, #tpu.memory_space<hbm>>
      %dma_start3A_33 = tpu.memref_slice %arg3[%multiple_of3A_13] : memref<6400000xi32, #tpu.memory_space<hbm>> -> memref<4000xi32, #tpu.memory_space<hbm>>
      tpu.enqueue_dma source(%dma_start3A_33 : memref<4000xi32, #tpu.memory_space<hbm>>) target(%arg8 : memref<4000xi32, #tpu.memory_space<vmem>>) target_semaphore(%run_scoped3A : memref<!tpu.dma_semaphore, #tpu.memory_space<semaphore_mem>>)
      %dma_wait3A_34 = tpu.memref_slice %arg3[%multiple_of3A_13] : memref<6400000xi32, #tpu.memory_space<hbm>> -> memref<4000xi32, #tpu.memory_space<hbm>>
      %dma_wait3A_35 = tpu.memref_slice %arg3[%multiple_of3A_13] : memref<6400000xi32, #tpu.memory_space<hbm>> -> memref<4000xi32, #tpu.memory_space<hbm>>
      tpu.wait_dma2 semaphore(%run_scoped3A : memref<!tpu.dma_semaphore, #tpu.memory_space<semaphore_mem>>) src(%dma_wait3A_35 : memref<4000xi32, #tpu.memory_space<hbm>>) dst(%arg8 : memref<4000xi32, #tpu.memory_space<vmem>>)
      tpu.yield
    }) : () -> ()
    %dma_start3A_14 = arith.constant 0 : i32
    %dma_start3A_15 = tpu.memref_slice %arg4[%dma_start3A_14] : memref<6400000xi32, #tpu.memory_space<hbm>> -> memref<6400000xi32, #tpu.memory_space<hbm>>
    tpu.enqueue_indirect_dma source(%dma_start3A_15 : memref<6400000xi32, #tpu.memory_space<hbm>>) target(%arg10 : memref<4000xi32, #tpu.memory_space<vmem>>) offsets(%arg8 : memref<4000xi32, #tpu.memory_space<vmem>>) semaphore(%arg15 : memref<!tpu.dma_semaphore, #tpu.memory_space<semaphore_mem>>)
    %scan3A = arith.constant 0.000000e+00 : f32
    %scan3A_16 = arith.constant 0 : i32
    %scan3A_17 = arith.constant 25 : i32
    %scan3A_18 = arith.addi %scan3A_16, %scan3A_17 : i32
    %scan3A_19 = arith.constant 1 : i32
    %scan3A_20 = scf.for %scan3A_32 = %scan3A_16 to %scan3A_18 step %scan3A_19 iter_args(%scan3A_33 = %scan3A) -> (f32)  : i32 {
      %mul3A_34 = arith.constant 2 : i32
      %mul3A_35 = arith.muli %mul3A_34, %scan3A_32 : i32
      %add3A_36 = arith.constant 1 : i32
      %add3A_37 = arith.addi %mul3A_35, %add3A_36 : i32
      %mul3A_38 = arith.constant 4000 : i32
      %mul3A_39 = arith.muli %add3A_37, %mul3A_38 : i32
      %add3A_40 = arith.addi %mul3A_2, %mul3A_39 : i32
      %multiple_of3A_41 = tpu.assume_multiple %add3A_40, 8 : i32
      "tpu.region"() ({
        %run_scoped3A = tpu.sem_alloc : memref<!tpu.dma_semaphore, #tpu.memory_space<semaphore_mem>>
        %dma_start3A_155 = tpu.memref_slice %arg3[%multiple_of3A_41] : memref<6400000xi32, #tpu.memory_space<hbm>> -> memref<4000xi32, #tpu.memory_space<hbm>>
        %dma_start3A_156 = tpu.memref_slice %arg3[%multiple_of3A_41] : memref<6400000xi32, #tpu.memory_space<hbm>> -> memref<4000xi32, #tpu.memory_space<hbm>>
        tpu.enqueue_dma source(%dma_start3A_156 : memref<4000xi32, #tpu.memory_space<hbm>>) target(%arg9 : memref<4000xi32, #tpu.memory_space<vmem>>) target_semaphore(%run_scoped3A : memref<!tpu.dma_semaphore, #tpu.memory_space<semaphore_mem>>)
        %dma_wait3A_157 = tpu.memref_slice %arg3[%multiple_of3A_41] : memref<6400000xi32, #tpu.memory_space<hbm>> -> memref<4000xi32, #tpu.memory_space<hbm>>
        %dma_wait3A_158 = tpu.memref_slice %arg3[%multiple_of3A_41] : memref<6400000xi32, #tpu.memory_space<hbm>> -> memref<4000xi32, #tpu.memory_space<hbm>>
        tpu.wait_dma2 semaphore(%run_scoped3A : memref<!tpu.dma_semaphore, #tpu.memory_space<semaphore_mem>>) src(%dma_wait3A_158 : memref<4000xi32, #tpu.memory_space<hbm>>) dst(%arg9 : memref<4000xi32, #tpu.memory_space<vmem>>)
        tpu.yield
      }) : () -> ()
      %dma_start3A_42 = arith.constant 0 : i32
      %dma_start3A_43 = tpu.memref_slice %arg4[%dma_start3A_42] : memref<6400000xi32, #tpu.memory_space<hbm>> -> memref<6400000xi32, #tpu.memory_space<hbm>>
      tpu.enqueue_indirect_dma source(%dma_start3A_43 : memref<6400000xi32, #tpu.memory_space<hbm>>) target(%arg11 : memref<4000xi32, #tpu.memory_space<vmem>>) offsets(%arg9 : memref<4000xi32, #tpu.memory_space<vmem>>) semaphore(%arg16 : memref<!tpu.dma_semaphore, #tpu.memory_space<semaphore_mem>>)
      %dma_wait3A_44 = arith.constant 0 : i32
      %dma_wait3A_45 = tpu.memref_slice %arg4[%dma_wait3A_44] : memref<6400000xi32, #tpu.memory_space<hbm>> -> memref<6400000xi32, #tpu.memory_space<hbm>>
      tpu.wait_indirect_dma semaphore(%arg15 : memref<!tpu.dma_semaphore, #tpu.memory_space<semaphore_mem>>) src(%dma_wait3A_45 : memref<6400000xi32, #tpu.memory_space<hbm>>) dst(%arg10 : memref<4000xi32, #tpu.memory_space<vmem>>)
      %mul3A_46 = arith.constant 4000 : i32
      %mul3A_47 = arith.muli %mul3A_35, %mul3A_46 : i32
      %add3A_48 = arith.addi %mul3A_2, %mul3A_47 : i32
      %multiple_of3A_49 = tpu.assume_multiple %add3A_48, 8 : i32
      %dma_wait3A_50 = tpu.memref_slice %arg5[%multiple_of3A_49] : memref<6400000xf32, #tpu.memory_space<hbm>> -> memref<4000xf32, #tpu.memory_space<hbm>>
      %dma_wait3A_51 = tpu.memref_slice %arg5[%multiple_of3A_49] : memref<6400000xf32, #tpu.memory_space<hbm>> -> memref<4000xf32, #tpu.memory_space<hbm>>
      tpu.wait_dma2 semaphore(%arg17 : memref<!tpu.dma_semaphore, #tpu.memory_space<semaphore_mem>>) src(%arg12 : memref<4000xf32, #tpu.memory_space<vmem>>) dst(%dma_wait3A_51 : memref<4000xf32, #tpu.memory_space<hbm>>)
      %scan3A_52 = arith.constant 0 : i32
      %scan3A_53 = arith.constant 248 : i32
      %scan3A_54 = arith.addi %scan3A_52, %scan3A_53 : i32
      %scan3A_55 = arith.constant 4 : i32
      %scan3A_56 = scf.for %scan3A_155 = %scan3A_52 to %scan3A_54 step %scan3A_55 iter_args(%scan3A_156 = %scan3A_33) -> (f32)  : i32 {
        %mul3A_157 = arith.constant 16 : i32
        %mul3A_158 = arith.muli %scan3A_155, %mul3A_157 : i32
        %get3A_159 = arith.index_cast %mul3A_158 : i32 to index
        %get3A_160 = tpu.vector_load %arg10[%get3A_159] {strides = array<i32>} : memref<4000xi32, #tpu.memory_space<vmem>>, vector<16xi32>,
        %gather3A_161 = tpu.vector_load_idx %arg7[%get3A_160] : memref<100000xf32, #tpu.memory_space<vmem>>[vector<16xi32>], vector<16xf32>,
        %broadcast_in_dim3A_162 = arith.constant true
        %broadcast_in_dim3A_163 = vector.broadcast %broadcast_in_dim3A_162 : i1 to vector<16xi1>
        %masked_cumsum3A_164 = tpu.scan <sum>, %gather3A_161 masked %broadcast_in_dim3A_163 : vector<16xf32>, vector<16xi1> -> vector<16xf32>
        %add3A_165 = vector.broadcast %scan3A_156 : f32 to vector<16xf32>
        %add3A_166 = arith.addf %masked_cumsum3A_164, %add3A_165 : vector<16xf32>
        %mul3A_167 = arith.constant 16 : i32
        %mul3A_168 = arith.muli %scan3A_155, %mul3A_167 : i32
        %swap3A_169 = arith.index_cast %mul3A_168 : i32 to index
        %swap3A_170 = tpu.vector_load %arg12[%swap3A_169] {strides = array<i32>} : memref<4000xf32, #tpu.memory_space<vmem>>, vector<16xf32>,
        tpu.vector_store %arg12[%swap3A_169], %add3A_166 {strides = array<i32>} : memref<4000xf32, #tpu.memory_space<vmem>>, vector<16xf32>,
        %slice3A_171 = vector.extract_strided_slice %add3A_166 {offsets = [15], sizes = [1], strides = [1]} : vector<16xf32> to vector<1xf32>
        %squeeze3A_172 = vector.extract %slice3A_171[0] : f32 from vector<1xf32>
        %scan3A_173 = arith.constant 1 : i32
        %scan3A_174 = arith.addi %scan3A_155, %scan3A_173 : i32
        %mul3A_175 = arith.constant 16 : i32
        %mul3A_176 = arith.muli %scan3A_174, %mul3A_175 : i32
        %get3A_177 = arith.index_cast %mul3A_176 : i32 to index
        %get3A_178 = tpu.vector_load %arg10[%get3A_177] {strides = array<i32>} : memref<4000xi32, #tpu.memory_space<vmem>>, vector<16xi32>,
        %gather3A_179 = tpu.vector_load_idx %arg7[%get3A_178] : memref<100000xf32, #tpu.memory_space<vmem>>[vector<16xi32>], vector<16xf32>,
        %broadcast_in_dim3A_180 = arith.constant true
        %broadcast_in_dim3A_181 = vector.broadcast %broadcast_in_dim3A_180 : i1 to vector<16xi1>
        %masked_cumsum3A_182 = tpu.scan <sum>, %gather3A_179 masked %broadcast_in_dim3A_181 : vector<16xf32>, vector<16xi1> -> vector<16xf32>
        %add3A_183 = vector.broadcast %squeeze3A_172 : f32 to vector<16xf32>
        %add3A_184 = arith.addf %masked_cumsum3A_182, %add3A_183 : vector<16xf32>
        %mul3A_185 = arith.constant 16 : i32
        %mul3A_186 = arith.muli %scan3A_174, %mul3A_185 : i32
        %swap3A_187 = arith.index_cast %mul3A_186 : i32 to index
        %swap3A_188 = tpu.vector_load %arg12[%swap3A_187] {strides = array<i32>} : memref<4000xf32, #tpu.memory_space<vmem>>, vector<16xf32>,
        tpu.vector_store %arg12[%swap3A_187], %add3A_184 {strides = array<i32>} : memref<4000xf32, #tpu.memory_space<vmem>>, vector<16xf32>,
        %slice3A_189 = vector.extract_strided_slice %add3A_184 {offsets = [15], sizes = [1], strides = [1]} : vector<16xf32> to vector<1xf32>
        %squeeze3A_190 = vector.extract %slice3A_189[0] : f32 from vector<1xf32>
        %scan3A_191 = arith.constant 2 : i32
        %scan3A_192 = arith.addi %scan3A_155, %scan3A_191 : i32
        %mul3A_193 = arith.constant 16 : i32
        %mul3A_194 = arith.muli %scan3A_192, %mul3A_193 : i32
        %get3A_195 = arith.index_cast %mul3A_194 : i32 to index
        %get3A_196 = tpu.vector_load %arg10[%get3A_195] {strides = array<i32>} : memref<4000xi32, #tpu.memory_space<vmem>>, vector<16xi32>,
        %gather3A_197 = tpu.vector_load_idx %arg7[%get3A_196] : memref<100000xf32, #tpu.memory_space<vmem>>[vector<16xi32>], vector<16xf32>,
        %broadcast_in_dim3A_198 = arith.constant true
        %broadcast_in_dim3A_199 = vector.broadcast %broadcast_in_dim3A_198 : i1 to vector<16xi1>
        %masked_cumsum3A_200 = tpu.scan <sum>, %gather3A_197 masked %broadcast_in_dim3A_199 : vector<16xf32>, vector<16xi1> -> vector<16xf32>
        %add3A_201 = vector.broadcast %squeeze3A_190 : f32 to vector<16xf32>
        %add3A_202 = arith.addf %masked_cumsum3A_200, %add3A_201 : vector<16xf32>
        %mul3A_203 = arith.constant 16 : i32
        %mul3A_204 = arith.muli %scan3A_192, %mul3A_203 : i32
        %swap3A_205 = arith.index_cast %mul3A_204 : i32 to index
        %swap3A_206 = tpu.vector_load %arg12[%swap3A_205] {strides = array<i32>} : memref<4000xf32, #tpu.memory_space<vmem>>, vector<16xf32>,
        tpu.vector_store %arg12[%swap3A_205], %add3A_202 {strides = array<i32>} : memref<4000xf32, #tpu.memory_space<vmem>>, vector<16xf32>,
        %slice3A_207 = vector.extract_strided_slice %add3A_202 {offsets = [15], sizes = [1], strides = [1]} : vector<16xf32> to vector<1xf32>
        %squeeze3A_208 = vector.extract %slice3A_207[0] : f32 from vector<1xf32>
        %scan3A_209 = arith.constant 3 : i32
        %scan3A_210 = arith.addi %scan3A_155, %scan3A_209 : i32
        %mul3A_211 = arith.constant 16 : i32
        %mul3A_212 = arith.muli %scan3A_210, %mul3A_211 : i32
        %get3A_213 = arith.index_cast %mul3A_212 : i32 to index
        %get3A_214 = tpu.vector_load %arg10[%get3A_213] {strides = array<i32>} : memref<4000xi32, #tpu.memory_space<vmem>>, vector<16xi32>,
        %gather3A_215 = tpu.vector_load_idx %arg7[%get3A_214] : memref<100000xf32, #tpu.memory_space<vmem>>[vector<16xi32>], vector<16xf32>,
        %broadcast_in_dim3A_216 = arith.constant true
        %broadcast_in_dim3A_217 = vector.broadcast %broadcast_in_dim3A_216 : i1 to vector<16xi1>
        %masked_cumsum3A_218 = tpu.scan <sum>, %gather3A_215 masked %broadcast_in_dim3A_217 : vector<16xf32>, vector<16xi1> -> vector<16xf32>
        %add3A_219 = vector.broadcast %squeeze3A_208 : f32 to vector<16xf32>
        %add3A_220 = arith.addf %masked_cumsum3A_218, %add3A_219 : vector<16xf32>
        %mul3A_221 = arith.constant 16 : i32
        %mul3A_222 = arith.muli %scan3A_210, %mul3A_221 : i32
        %swap3A_223 = arith.index_cast %mul3A_222 : i32 to index
        %swap3A_224 = tpu.vector_load %arg12[%swap3A_223] {strides = array<i32>} : memref<4000xf32, #tpu.memory_space<vmem>>, vector<16xf32>,
        tpu.vector_store %arg12[%swap3A_223], %add3A_220 {strides = array<i32>} : memref<4000xf32, #tpu.memory_space<vmem>>, vector<16xf32>,
        %slice3A_225 = vector.extract_strided_slice %add3A_220 {offsets = [15], sizes = [1], strides = [1]} : vector<16xf32> to vector<1xf32>
        %squeeze3A_226 = vector.extract %slice3A_225[0] : f32 from vector<1xf32>
        scf.yield %squeeze3A_226 : f32
      }
      %scan3A_57 = arith.constant 248 : i32
      %scan3A_58 = arith.addi %scan3A_52, %scan3A_57 : i32
      %mul3A_59 = arith.constant 16 : i32
      %mul3A_60 = arith.muli %scan3A_58, %mul3A_59 : i32
      %get3A = arith.index_cast %mul3A_60 : i32 to index
      %get3A_61 = tpu.vector_load %arg10[%get3A] {strides = array<i32>} : memref<4000xi32, #tpu.memory_space<vmem>>, vector<16xi32>,
      %gather3A = tpu.vector_load_idx %arg7[%get3A_61] : memref<100000xf32, #tpu.memory_space<vmem>>[vector<16xi32>], vector<16xf32>,
      %broadcast_in_dim3A_62 = arith.constant true
      %broadcast_in_dim3A_63 = vector.broadcast %broadcast_in_dim3A_62 : i1 to vector<16xi1>
      %masked_cumsum3A = tpu.scan <sum>, %gather3A masked %broadcast_in_dim3A_63 : vector<16xf32>, vector<16xi1> -> vector<16xf32>
      %add3A_64 = vector.broadcast %scan3A_56 : f32 to vector<16xf32>
      %add3A_65 = arith.addf %masked_cumsum3A, %add3A_64 : vector<16xf32>
      %mul3A_66 = arith.constant 16 : i32
      %mul3A_67 = arith.muli %scan3A_58, %mul3A_66 : i32
      %swap3A_68 = arith.index_cast %mul3A_67 : i32 to index
      %swap3A_69 = tpu.vector_load %arg12[%swap3A_68] {strides = array<i32>} : memref<4000xf32, #tpu.memory_space<vmem>>, vector<16xf32>,
      tpu.vector_store %arg12[%swap3A_68], %add3A_65 {strides = array<i32>} : memref<4000xf32, #tpu.memory_space<vmem>>, vector<16xf32>,
      %slice3A = vector.extract_strided_slice %add3A_65 {offsets = [15], sizes = [1], strides = [1]} : vector<16xf32> to vector<1xf32>
      %squeeze3A = vector.extract %slice3A[0] : f32 from vector<1xf32>
      %scan3A_70 = arith.constant 249 : i32
      %scan3A_71 = arith.addi %scan3A_52, %scan3A_70 : i32
      %mul3A_72 = arith.constant 16 : i32
      %mul3A_73 = arith.muli %scan3A_71, %mul3A_72 : i32
      %get3A_74 = arith.index_cast %mul3A_73 : i32 to index
      %get3A_75 = tpu.vector_load %arg10[%get3A_74] {strides = array<i32>} : memref<4000xi32, #tpu.memory_space<vmem>>, vector<16xi32>,
      %gather3A_76 = tpu.vector_load_idx %arg7[%get3A_75] : memref<100000xf32, #tpu.memory_space<vmem>>[vector<16xi32>], vector<16xf32>,
      %broadcast_in_dim3A_77 = arith.constant true
      %broadcast_in_dim3A_78 = vector.broadcast %broadcast_in_dim3A_77 : i1 to vector<16xi1>
      %masked_cumsum3A_79 = tpu.scan <sum>, %gather3A_76 masked %broadcast_in_dim3A_78 : vector<16xf32>, vector<16xi1> -> vector<16xf32>
      %add3A_80 = vector.broadcast %squeeze3A : f32 to vector<16xf32>
      %add3A_81 = arith.addf %masked_cumsum3A_79, %add3A_80 : vector<16xf32>
      %mul3A_82 = arith.constant 16 : i32
      %mul3A_83 = arith.muli %scan3A_71, %mul3A_82 : i32
      %swap3A_84 = arith.index_cast %mul3A_83 : i32 to index
      %swap3A_85 = tpu.vector_load %arg12[%swap3A_84] {strides = array<i32>} : memref<4000xf32, #tpu.memory_space<vmem>>, vector<16xf32>,
      tpu.vector_store %arg12[%swap3A_84], %add3A_81 {strides = array<i32>} : memref<4000xf32, #tpu.memory_space<vmem>>, vector<16xf32>,
      %slice3A_86 = vector.extract_strided_slice %add3A_81 {offsets = [15], sizes = [1], strides = [1]} : vector<16xf32> to vector<1xf32>
      %squeeze3A_87 = vector.extract %slice3A_86[0] : f32 from vector<1xf32>
      %scan3A_88 = arith.constant 250 : i32
      %mul3A_89 = arith.constant 4000 : i32
      %mul3A_90 = arith.muli %mul3A_35, %mul3A_89 : i32
      %add3A_91 = arith.addi %mul3A_2, %mul3A_90 : i32
      %multiple_of3A_92 = tpu.assume_multiple %add3A_91, 8 : i32
      %dma_start3A_93 = tpu.memref_slice %arg5[%multiple_of3A_92] : memref<6400000xf32, #tpu.memory_space<hbm>> -> memref<4000xf32, #tpu.memory_space<hbm>>
      %dma_start3A_94 = tpu.memref_slice %arg5[%multiple_of3A_92] : memref<6400000xf32, #tpu.memory_space<hbm>> -> memref<4000xf32, #tpu.memory_space<hbm>>
      tpu.enqueue_dma source(%arg12 : memref<4000xf32, #tpu.memory_space<vmem>>) target(%dma_start3A_94 : memref<4000xf32, #tpu.memory_space<hbm>>) target_semaphore(%arg17 : memref<!tpu.dma_semaphore, #tpu.memory_space<semaphore_mem>>)
      %lt3A = arith.constant 24 : i32
      %lt3A_95 = arith.cmpi slt, %scan3A_32, %lt3A : i32
      %convert_element_type3A = arith.extui %lt3A_95 : i1 to i32
      %cond3A = arith.constant 0 : i32
      %cond3A_96 = arith.cmpi ne, %convert_element_type3A, %cond3A : i32
      scf.if %cond3A_96 {
        %add3A_155 = arith.constant 2 : i32
        %add3A_156 = arith.addi %mul3A_35, %add3A_155 : i32
        %mul3A_157 = arith.constant 4000 : i32
        %mul3A_158 = arith.muli %add3A_156, %mul3A_157 : i32
        %add3A_159 = arith.addi %mul3A_2, %mul3A_158 : i32
        %multiple_of3A_160 = tpu.assume_multiple %add3A_159, 8 : i32
        "tpu.region"() ({
          %run_scoped3A = tpu.sem_alloc : memref<!tpu.dma_semaphore, #tpu.memory_space<semaphore_mem>>
          %dma_start3A_163 = tpu.memref_slice %arg3[%multiple_of3A_160] : memref<6400000xi32, #tpu.memory_space<hbm>> -> memref<4000xi32, #tpu.memory_space<hbm>>
          %dma_start3A_164 = tpu.memref_slice %arg3[%multiple_of3A_160] : memref<6400000xi32, #tpu.memory_space<hbm>> -> memref<4000xi32, #tpu.memory_space<hbm>>
          tpu.enqueue_dma source(%dma_start3A_164 : memref<4000xi32, #tpu.memory_space<hbm>>) target(%arg8 : memref<4000xi32, #tpu.memory_space<vmem>>) target_semaphore(%run_scoped3A : memref<!tpu.dma_semaphore, #tpu.memory_space<semaphore_mem>>)
          %dma_wait3A_165 = tpu.memref_slice %arg3[%multiple_of3A_160] : memref<6400000xi32, #tpu.memory_space<hbm>> -> memref<4000xi32, #tpu.memory_space<hbm>>
          %dma_wait3A_166 = tpu.memref_slice %arg3[%multiple_of3A_160] : memref<6400000xi32, #tpu.memory_space<hbm>> -> memref<4000xi32, #tpu.memory_space<hbm>>
          tpu.wait_dma2 semaphore(%run_scoped3A : memref<!tpu.dma_semaphore, #tpu.memory_space<semaphore_mem>>) src(%dma_wait3A_166 : memref<4000xi32, #tpu.memory_space<hbm>>) dst(%arg8 : memref<4000xi32, #tpu.memory_space<vmem>>)
          tpu.yield
        }) : () -> ()
        %dma_start3A_161 = arith.constant 0 : i32
        %dma_start3A_162 = tpu.memref_slice %arg4[%dma_start3A_161] : memref<6400000xi32, #tpu.memory_space<hbm>> -> memref<6400000xi32, #tpu.memory_space<hbm>>
        tpu.enqueue_indirect_dma source(%dma_start3A_162 : memref<6400000xi32, #tpu.memory_space<hbm>>) target(%arg10 : memref<4000xi32, #tpu.memory_space<vmem>>) offsets(%arg8 : memref<4000xi32, #tpu.memory_space<vmem>>) semaphore(%arg15 : memref<!tpu.dma_semaphore, #tpu.memory_space<semaphore_mem>>)
      } else {
      }
      %add3A_97 = arith.constant 1 : i32
      %add3A_98 = arith.addi %mul3A_35, %add3A_97 : i32
      %dma_wait3A_99 = arith.constant 0 : i32
      %dma_wait3A_100 = tpu.memref_slice %arg4[%dma_wait3A_99] : memref<6400000xi32, #tpu.memory_space<hbm>> -> memref<6400000xi32, #tpu.memory_space<hbm>>
      tpu.wait_indirect_dma semaphore(%arg16 : memref<!tpu.dma_semaphore, #tpu.memory_space<semaphore_mem>>) src(%dma_wait3A_100 : memref<6400000xi32, #tpu.memory_space<hbm>>) dst(%arg11 : memref<4000xi32, #tpu.memory_space<vmem>>)
      %mul3A_101 = arith.constant 4000 : i32
      %mul3A_102 = arith.muli %add3A_98, %mul3A_101 : i32
      %add3A_103 = arith.addi %mul3A_2, %mul3A_102 : i32
      %multiple_of3A_104 = tpu.assume_multiple %add3A_103, 8 : i32
      %dma_wait3A_105 = tpu.memref_slice %arg5[%multiple_of3A_104] : memref<6400000xf32, #tpu.memory_space<hbm>> -> memref<4000xf32, #tpu.memory_space<hbm>>
      %dma_wait3A_106 = tpu.memref_slice %arg5[%multiple_of3A_104] : memref<6400000xf32, #tpu.memory_space<hbm>> -> memref<4000xf32, #tpu.memory_space<hbm>>
      tpu.wait_dma2 semaphore(%arg18 : memref<!tpu.dma_semaphore, #tpu.memory_space<semaphore_mem>>) src(%arg13 : memref<4000xf32, #tpu.memory_space<vmem>>) dst(%dma_wait3A_106 : memref<4000xf32, #tpu.memory_space<hbm>>)
      %scan3A_107 = arith.constant 0 : i32
      %scan3A_108 = arith.constant 248 : i32
      %scan3A_109 = arith.addi %scan3A_107, %scan3A_108 : i32
      %scan3A_110 = arith.constant 4 : i32
      %scan3A_111 = scf.for %scan3A_155 = %scan3A_107 to %scan3A_109 step %scan3A_110 iter_args(%scan3A_156 = %squeeze3A_87) -> (f32)  : i32 {
        %mul3A_157 = arith.constant 16 : i32
        %mul3A_158 = arith.muli %scan3A_155, %mul3A_157 : i32
        %get3A_159 = arith.index_cast %mul3A_158 : i32 to index
        %get3A_160 = tpu.vector_load %arg11[%get3A_159] {strides = array<i32>} : memref<4000xi32, #tpu.memory_space<vmem>>, vector<16xi32>,
        %gather3A_161 = tpu.vector_load_idx %arg7[%get3A_160] : memref<100000xf32, #tpu.memory_space<vmem>>[vector<16xi32>], vector<16xf32>,
        %broadcast_in_dim3A_162 = arith.constant true
        %broadcast_in_dim3A_163 = vector.broadcast %broadcast_in_dim3A_162 : i1 to vector<16xi1>
        %masked_cumsum3A_164 = tpu.scan <sum>, %gather3A_161 masked %broadcast_in_dim3A_163 : vector<16xf32>, vector<16xi1> -> vector<16xf32>
        %add3A_165 = vector.broadcast %scan3A_156 : f32 to vector<16xf32>
        %add3A_166 = arith.addf %masked_cumsum3A_164, %add3A_165 : vector<16xf32>
        %mul3A_167 = arith.constant 16 : i32
        %mul3A_168 = arith.muli %scan3A_155, %mul3A_167 : i32
        %swap3A_169 = arith.index_cast %mul3A_168 : i32 to index
        %swap3A_170 = tpu.vector_load %arg13[%swap3A_169] {strides = array<i32>} : memref<4000xf32, #tpu.memory_space<vmem>>, vector<16xf32>,
        tpu.vector_store %arg13[%swap3A_169], %add3A_166 {strides = array<i32>} : memref<4000xf32, #tpu.memory_space<vmem>>, vector<16xf32>,
        %slice3A_171 = vector.extract_strided_slice %add3A_166 {offsets = [15], sizes = [1], strides = [1]} : vector<16xf32> to vector<1xf32>
        %squeeze3A_172 = vector.extract %slice3A_171[0] : f32 from vector<1xf32>
        %scan3A_173 = arith.constant 1 : i32
        %scan3A_174 = arith.addi %scan3A_155, %scan3A_173 : i32
        %mul3A_175 = arith.constant 16 : i32
        %mul3A_176 = arith.muli %scan3A_174, %mul3A_175 : i32
        %get3A_177 = arith.index_cast %mul3A_176 : i32 to index
        %get3A_178 = tpu.vector_load %arg11[%get3A_177] {strides = array<i32>} : memref<4000xi32, #tpu.memory_space<vmem>>, vector<16xi32>,
        %gather3A_179 = tpu.vector_load_idx %arg7[%get3A_178] : memref<100000xf32, #tpu.memory_space<vmem>>[vector<16xi32>], vector<16xf32>,
        %broadcast_in_dim3A_180 = arith.constant true
        %broadcast_in_dim3A_181 = vector.broadcast %broadcast_in_dim3A_180 : i1 to vector<16xi1>
        %masked_cumsum3A_182 = tpu.scan <sum>, %gather3A_179 masked %broadcast_in_dim3A_181 : vector<16xf32>, vector<16xi1> -> vector<16xf32>
        %add3A_183 = vector.broadcast %squeeze3A_172 : f32 to vector<16xf32>
        %add3A_184 = arith.addf %masked_cumsum3A_182, %add3A_183 : vector<16xf32>
        %mul3A_185 = arith.constant 16 : i32
        %mul3A_186 = arith.muli %scan3A_174, %mul3A_185 : i32
        %swap3A_187 = arith.index_cast %mul3A_186 : i32 to index
        %swap3A_188 = tpu.vector_load %arg13[%swap3A_187] {strides = array<i32>} : memref<4000xf32, #tpu.memory_space<vmem>>, vector<16xf32>,
        tpu.vector_store %arg13[%swap3A_187], %add3A_184 {strides = array<i32>} : memref<4000xf32, #tpu.memory_space<vmem>>, vector<16xf32>,
        %slice3A_189 = vector.extract_strided_slice %add3A_184 {offsets = [15], sizes = [1], strides = [1]} : vector<16xf32> to vector<1xf32>
        %squeeze3A_190 = vector.extract %slice3A_189[0] : f32 from vector<1xf32>
        %scan3A_191 = arith.constant 2 : i32
        %scan3A_192 = arith.addi %scan3A_155, %scan3A_191 : i32
        %mul3A_193 = arith.constant 16 : i32
        %mul3A_194 = arith.muli %scan3A_192, %mul3A_193 : i32
        %get3A_195 = arith.index_cast %mul3A_194 : i32 to index
        %get3A_196 = tpu.vector_load %arg11[%get3A_195] {strides = array<i32>} : memref<4000xi32, #tpu.memory_space<vmem>>, vector<16xi32>,
        %gather3A_197 = tpu.vector_load_idx %arg7[%get3A_196] : memref<100000xf32, #tpu.memory_space<vmem>>[vector<16xi32>], vector<16xf32>,
        %broadcast_in_dim3A_198 = arith.constant true
        %broadcast_in_dim3A_199 = vector.broadcast %broadcast_in_dim3A_198 : i1 to vector<16xi1>
        %masked_cumsum3A_200 = tpu.scan <sum>, %gather3A_197 masked %broadcast_in_dim3A_199 : vector<16xf32>, vector<16xi1> -> vector<16xf32>
        %add3A_201 = vector.broadcast %squeeze3A_190 : f32 to vector<16xf32>
        %add3A_202 = arith.addf %masked_cumsum3A_200, %add3A_201 : vector<16xf32>
        %mul3A_203 = arith.constant 16 : i32
        %mul3A_204 = arith.muli %scan3A_192, %mul3A_203 : i32
        %swap3A_205 = arith.index_cast %mul3A_204 : i32 to index
        %swap3A_206 = tpu.vector_load %arg13[%swap3A_205] {strides = array<i32>} : memref<4000xf32, #tpu.memory_space<vmem>>, vector<16xf32>,
        tpu.vector_store %arg13[%swap3A_205], %add3A_202 {strides = array<i32>} : memref<4000xf32, #tpu.memory_space<vmem>>, vector<16xf32>,
        %slice3A_207 = vector.extract_strided_slice %add3A_202 {offsets = [15], sizes = [1], strides = [1]} : vector<16xf32> to vector<1xf32>
        %squeeze3A_208 = vector.extract %slice3A_207[0] : f32 from vector<1xf32>
        %scan3A_209 = arith.constant 3 : i32
        %scan3A_210 = arith.addi %scan3A_155, %scan3A_209 : i32
        %mul3A_211 = arith.constant 16 : i32
        %mul3A_212 = arith.muli %scan3A_210, %mul3A_211 : i32
        %get3A_213 = arith.index_cast %mul3A_212 : i32 to index
        %get3A_214 = tpu.vector_load %arg11[%get3A_213] {strides = array<i32>} : memref<4000xi32, #tpu.memory_space<vmem>>, vector<16xi32>,
        %gather3A_215 = tpu.vector_load_idx %arg7[%get3A_214] : memref<100000xf32, #tpu.memory_space<vmem>>[vector<16xi32>], vector<16xf32>,
        %broadcast_in_dim3A_216 = arith.constant true
        %broadcast_in_dim3A_217 = vector.broadcast %broadcast_in_dim3A_216 : i1 to vector<16xi1>
        %masked_cumsum3A_218 = tpu.scan <sum>, %gather3A_215 masked %broadcast_in_dim3A_217 : vector<16xf32>, vector<16xi1> -> vector<16xf32>
        %add3A_219 = vector.broadcast %squeeze3A_208 : f32 to vector<16xf32>
        %add3A_220 = arith.addf %masked_cumsum3A_218, %add3A_219 : vector<16xf32>
        %mul3A_221 = arith.constant 16 : i32
        %mul3A_222 = arith.muli %scan3A_210, %mul3A_221 : i32
        %swap3A_223 = arith.index_cast %mul3A_222 : i32 to index
        %swap3A_224 = tpu.vector_load %arg13[%swap3A_223] {strides = array<i32>} : memref<4000xf32, #tpu.memory_space<vmem>>, vector<16xf32>,
        tpu.vector_store %arg13[%swap3A_223], %add3A_220 {strides = array<i32>} : memref<4000xf32, #tpu.memory_space<vmem>>, vector<16xf32>,
        %slice3A_225 = vector.extract_strided_slice %add3A_220 {offsets = [15], sizes = [1], strides = [1]} : vector<16xf32> to vector<1xf32>
        %squeeze3A_226 = vector.extract %slice3A_225[0] : f32 from vector<1xf32>
        scf.yield %squeeze3A_226 : f32
      }
      %scan3A_112 = arith.constant 248 : i32
      %scan3A_113 = arith.addi %scan3A_107, %scan3A_112 : i32
      %mul3A_114 = arith.constant 16 : i32
      %mul3A_115 = arith.muli %scan3A_113, %mul3A_114 : i32
      %get3A_116 = arith.index_cast %mul3A_115 : i32 to index
      %get3A_117 = tpu.vector_load %arg11[%get3A_116] {strides = array<i32>} : memref<4000xi32, #tpu.memory_space<vmem>>, vector<16xi32>,
      %gather3A_118 = tpu.vector_load_idx %arg7[%get3A_117] : memref<100000xf32, #tpu.memory_space<vmem>>[vector<16xi32>], vector<16xf32>,
      %broadcast_in_dim3A_119 = arith.constant true
      %broadcast_in_dim3A_120 = vector.broadcast %broadcast_in_dim3A_119 : i1 to vector<16xi1>
      %masked_cumsum3A_121 = tpu.scan <sum>, %gather3A_118 masked %broadcast_in_dim3A_120 : vector<16xf32>, vector<16xi1> -> vector<16xf32>
      %add3A_122 = vector.broadcast %scan3A_111 : f32 to vector<16xf32>
      %add3A_123 = arith.addf %masked_cumsum3A_121, %add3A_122 : vector<16xf32>
      %mul3A_124 = arith.constant 16 : i32
      %mul3A_125 = arith.muli %scan3A_113, %mul3A_124 : i32
      %swap3A_126 = arith.index_cast %mul3A_125 : i32 to index
      %swap3A_127 = tpu.vector_load %arg13[%swap3A_126] {strides = array<i32>} : memref<4000xf32, #tpu.memory_space<vmem>>, vector<16xf32>,
      tpu.vector_store %arg13[%swap3A_126], %add3A_123 {strides = array<i32>} : memref<4000xf32, #tpu.memory_space<vmem>>, vector<16xf32>,
      %slice3A_128 = vector.extract_strided_slice %add3A_123 {offsets = [15], sizes = [1], strides = [1]} : vector<16xf32> to vector<1xf32>
      %squeeze3A_129 = vector.extract %slice3A_128[0] : f32 from vector<1xf32>
      %scan3A_130 = arith.constant 249 : i32
      %scan3A_131 = arith.addi %scan3A_107, %scan3A_130 : i32
      %mul3A_132 = arith.constant 16 : i32
      %mul3A_133 = arith.muli %scan3A_131, %mul3A_132 : i32
      %get3A_134 = arith.index_cast %mul3A_133 : i32 to index
      %get3A_135 = tpu.vector_load %arg11[%get3A_134] {strides = array<i32>} : memref<4000xi32, #tpu.memory_space<vmem>>, vector<16xi32>,
      %gather3A_136 = tpu.vector_load_idx %arg7[%get3A_135] : memref<100000xf32, #tpu.memory_space<vmem>>[vector<16xi32>], vector<16xf32>,
      %broadcast_in_dim3A_137 = arith.constant true
      %broadcast_in_dim3A_138 = vector.broadcast %broadcast_in_dim3A_137 : i1 to vector<16xi1>
      %masked_cumsum3A_139 = tpu.scan <sum>, %gather3A_136 masked %broadcast_in_dim3A_138 : vector<16xf32>, vector<16xi1> -> vector<16xf32>
      %add3A_140 = vector.broadcast %squeeze3A_129 : f32 to vector<16xf32>
      %add3A_141 = arith.addf %masked_cumsum3A_139, %add3A_140 : vector<16xf32>
      %mul3A_142 = arith.constant 16 : i32
      %mul3A_143 = arith.muli %scan3A_131, %mul3A_142 : i32
      %swap3A_144 = arith.index_cast %mul3A_143 : i32 to index
      %swap3A_145 = tpu.vector_load %arg13[%swap3A_144] {strides = array<i32>} : memref<4000xf32, #tpu.memory_space<vmem>>, vector<16xf32>,
      tpu.vector_store %arg13[%swap3A_144], %add3A_141 {strides = array<i32>} : memref<4000xf32, #tpu.memory_space<vmem>>, vector<16xf32>,
      %slice3A_146 = vector.extract_strided_slice %add3A_141 {offsets = [15], sizes = [1], strides = [1]} : vector<16xf32> to vector<1xf32>
      %squeeze3A_147 = vector.extract %slice3A_146[0] : f32 from vector<1xf32>
      %scan3A_148 = arith.constant 250 : i32
      %mul3A_149 = arith.constant 4000 : i32
      %mul3A_150 = arith.muli %add3A_98, %mul3A_149 : i32
      %add3A_151 = arith.addi %mul3A_2, %mul3A_150 : i32
      %multiple_of3A_152 = tpu.assume_multiple %add3A_151, 8 : i32
      %dma_start3A_153 = tpu.memref_slice %arg5[%multiple_of3A_152] : memref<6400000xf32, #tpu.memory_space<hbm>> -> memref<4000xf32, #tpu.memory_space<hbm>>
      %dma_start3A_154 = tpu.memref_slice %arg5[%multiple_of3A_152] : memref<6400000xf32, #tpu.memory_space<hbm>> -> memref<4000xf32, #tpu.memory_space<hbm>>
      tpu.enqueue_dma source(%arg13 : memref<4000xf32, #tpu.memory_space<vmem>>) target(%dma_start3A_154 : memref<4000xf32, #tpu.memory_space<hbm>>) target_semaphore(%arg18 : memref<!tpu.dma_semaphore, #tpu.memory_space<semaphore_mem>>)
      scf.yield %squeeze3A_147 : f32
    }
    %scan3A_21 = arith.constant 25 : i32
    %add3A_22 = arith.constant 192000 : i32
    %add3A_23 = arith.addi %mul3A_2, %add3A_22 : i32
    %multiple_of3A_24 = tpu.assume_multiple %add3A_23, 8 : i32
    %dma_wait3A = tpu.memref_slice %arg5[%multiple_of3A_24] : memref<6400000xf32, #tpu.memory_space<hbm>> -> memref<4000xf32, #tpu.memory_space<hbm>>
    %dma_wait3A_25 = tpu.memref_slice %arg5[%multiple_of3A_24] : memref<6400000xf32, #tpu.memory_space<hbm>> -> memref<4000xf32, #tpu.memory_space<hbm>>
    tpu.wait_dma2 semaphore(%arg17 : memref<!tpu.dma_semaphore, #tpu.memory_space<semaphore_mem>>) src(%arg12 : memref<4000xf32, #tpu.memory_space<vmem>>) dst(%dma_wait3A_25 : memref<4000xf32, #tpu.memory_space<hbm>>)
    %add3A_26 = arith.constant 196000 : i32
    %add3A_27 = arith.addi %mul3A_2, %add3A_26 : i32
    %multiple_of3A_28 = tpu.assume_multiple %add3A_27, 8 : i32
    %dma_wait3A_29 = tpu.memref_slice %arg5[%multiple_of3A_28] : memref<6400000xf32, #tpu.memory_space<hbm>> -> memref<4000xf32, #tpu.memory_space<hbm>>
    %dma_wait3A_30 = tpu.memref_slice %arg5[%multiple_of3A_28] : memref<6400000xf32, #tpu.memory_space<hbm>> -> memref<4000xf32, #tpu.memory_space<hbm>>
    tpu.wait_dma2 semaphore(%arg18 : memref<!tpu.dma_semaphore, #tpu.memory_space<semaphore_mem>>) src(%arg13 : memref<4000xf32, #tpu.memory_space<vmem>>) dst(%dma_wait3A_30 : memref<4000xf32, #tpu.memory_space<hbm>>)
    %broadcast_in_dim3A = vector.broadcast %scan3A_20 : f32 to vector<16xf32>
    %swap3A = arith.constant 0 : index
    %swap3A_31 = tpu.vector_load %arg14[%swap3A] {strides = array<i32>} : memref<16xf32, #tpu.memory_space<vmem>>, vector<16xf32>,
    tpu.vector_store %arg14[%swap3A], %broadcast_in_dim3A {strides = array<i32>} : memref<16xf32, #tpu.memory_space<vmem>>, vector<16xf32>,
    "tpu.region"() ({
      %run_scoped3A = tpu.sem_alloc : memref<!tpu.dma_semaphore, #tpu.memory_space<semaphore_mem>>
      %dma_start3A_32 = arith.constant 0 : i32
      %dma_start3A_33 = tpu.memref_slice %arg6[%add3A, %dma_start3A_32] : memref<32x16xf32, #tpu.memory_space<hbm>> -> memref<1x16xf32, #tpu.memory_space<hbm>>
      %dma_start3A_34 = tpu.memref_squeeze %dma_start3A_33 : memref<1x16xf32, #tpu.memory_space<hbm>> -> memref<16xf32, #tpu.memory_space<hbm>>
      %dma_start3A_35 = arith.constant 0 : i32
      %dma_start3A_36 = tpu.memref_slice %arg6[%add3A, %dma_start3A_35] : memref<32x16xf32, #tpu.memory_space<hbm>> -> memref<1x16xf32, #tpu.memory_space<hbm>>
      %dma_start3A_37 = tpu.memref_squeeze %dma_start3A_36 : memref<1x16xf32, #tpu.memory_space<hbm>> -> memref<16xf32, #tpu.memory_space<hbm>>
      tpu.enqueue_dma source(%arg14 : memref<16xf32, #tpu.memory_space<vmem>>) target(%dma_start3A_37 : memref<16xf32, #tpu.memory_space<hbm>>) target_semaphore(%run_scoped3A : memref<!tpu.dma_semaphore, #tpu.memory_space<semaphore_mem>>)
      %dma_wait3A_38 = arith.constant 0 : i32
      %dma_wait3A_39 = tpu.memref_slice %arg6[%add3A, %dma_wait3A_38] : memref<32x16xf32, #tpu.memory_space<hbm>> -> memref<1x16xf32, #tpu.memory_space<hbm>>
      %dma_wait3A_40 = tpu.memref_squeeze %dma_wait3A_39 : memref<1x16xf32, #tpu.memory_space<hbm>> -> memref<16xf32, #tpu.memory_space<hbm>>
      %dma_wait3A_41 = arith.constant 0 : i32
      %dma_wait3A_42 = tpu.memref_slice %arg6[%add3A, %dma_wait3A_41] : memref<32x16xf32, #tpu.memory_space<hbm>> -> memref<1x16xf32, #tpu.memory_space<hbm>>
      %dma_wait3A_43 = tpu.memref_squeeze %dma_wait3A_42 : memref<1x16xf32, #tpu.memory_space<hbm>> -> memref<16xf32, #tpu.memory_space<hbm>>
      tpu.wait_dma2 semaphore(%run_scoped3A : memref<!tpu.dma_semaphore, #tpu.memory_space<semaphore_mem>>) src(%arg14 : memref<16xf32, #tpu.memory_space<vmem>>) dst(%dma_wait3A_43 : memref<16xf32, #tpu.memory_space<hbm>>)
      tpu.yield
    }) : () -> ()
    return
  }
}

#map = affine_map<(d0, d1) -> (0)>
module attributes {stable_mosaic.version = 14 : i64} {
  func.func @_phase2(%arg0: i32, %arg1: i32, %arg2: memref<6400000xf32, #tpu.memory_space<hbm>>, %arg3: memref<32xf32, #tpu.memory_space<hbm>>, %arg4: memref<102408xi32, #tpu.memory_space<hbm>>, %arg5: memref<102400xf32, #tpu.memory_space<hbm>>, %arg6: memref<32xf32, #tpu.memory_space<vmem>>, %arg7: memref<32xf32, #tpu.memory_space<vmem>>, %arg8: memref<1608xi32, #tpu.memory_space<vmem>>, %arg9: memref<1600xi32, #tpu.memory_space<vmem>>, %arg10: memref<1600xi32, #tpu.memory_space<vmem>>, %arg11: memref<1600xf32, #tpu.memory_space<vmem>>, %arg12: memref<1600xf32, #tpu.memory_space<vmem>>, %arg13: memref<1600xf32, #tpu.memory_space<vmem>>, %arg14: memref<!tpu.dma_semaphore, #tpu.memory_space<semaphore_mem>>) attributes {dimension_semantics = [#tpu.dimension_semantics<core_parallel>, #tpu.dimension_semantics<subcore_parallel>], iteration_bounds = array<i64: 2, 16>, scalar_prefetch = 0 : i64, scratch_operands = 9 : i64, tpu.core_type = #tpu.core_type<sc_vector_subcore>, window_params = [{transform_indices = #map}, {transform_indices = #map}, {transform_indices = #map}, {transform_indices = #map}]} {
    %mul3A = arith.constant 2 : i32
    %mul3A_0 = arith.muli %arg1, %mul3A : i32
    %add3A = arith.addi %mul3A_0, %arg0 : i32
    "tpu.region"() ({
      %run_scoped3A = tpu.sem_alloc : memref<!tpu.dma_semaphore, #tpu.memory_space<semaphore_mem>>
      tpu.enqueue_dma source(%arg3 : memref<32xf32, #tpu.memory_space<hbm>>) target(%arg6 : memref<32xf32, #tpu.memory_space<vmem>>) target_semaphore(%run_scoped3A : memref<!tpu.dma_semaphore, #tpu.memory_space<semaphore_mem>>)
      tpu.wait_dma2 semaphore(%run_scoped3A : memref<!tpu.dma_semaphore, #tpu.memory_space<semaphore_mem>>) src(%arg3 : memref<32xf32, #tpu.memory_space<hbm>>) dst(%arg6 : memref<32xf32, #tpu.memory_space<vmem>>)
      tpu.yield
    }) : () -> ()
    %get3A = arith.constant 0 : index
    %get3A_1 = tpu.vector_load %arg6[%get3A] {strides = array<i32>} : memref<32xf32, #tpu.memory_space<vmem>>, vector<16xf32>,
    %get3A_2 = arith.constant 16 : index
    %get3A_3 = tpu.vector_load %arg6[%get3A_2] {strides = array<i32>} : memref<32xf32, #tpu.memory_space<vmem>>, vector<16xf32>,
    %broadcast_in_dim3A = arith.constant true
    %broadcast_in_dim3A_4 = vector.broadcast %broadcast_in_dim3A : i1 to vector<16xi1>
    %masked_cumsum3A = tpu.scan <sum>, %get3A_1 masked %broadcast_in_dim3A_4 : vector<16xf32>, vector<16xi1> -> vector<16xf32>
    %sub3A = arith.subf %masked_cumsum3A, %get3A_1 : vector<16xf32>
    %swap3A = arith.constant 0 : index
    %swap3A_5 = tpu.vector_load %arg7[%swap3A] {strides = array<i32>} : memref<32xf32, #tpu.memory_space<vmem>>, vector<16xf32>,
    tpu.vector_store %arg7[%swap3A], %sub3A {strides = array<i32>} : memref<32xf32, #tpu.memory_space<vmem>>, vector<16xf32>,
    %broadcast_in_dim3A_6 = arith.constant true
    %broadcast_in_dim3A_7 = vector.broadcast %broadcast_in_dim3A_6 : i1 to vector<16xi1>
    %masked_cumsum3A_8 = tpu.scan <sum>, %get3A_3 masked %broadcast_in_dim3A_7 : vector<16xf32>, vector<16xi1> -> vector<16xf32>
    %sub3A_9 = arith.subf %masked_cumsum3A_8, %get3A_3 : vector<16xf32>
    %reduce_sum3A = arith.constant true
    %reduce_sum3A_10 = vector.broadcast %reduce_sum3A : i1 to vector<16xi1>
    %reduce_sum3A_11 = tpu.scan <sum>, %get3A_1 masked %reduce_sum3A_10 : vector<16xf32>, vector<16xi1> -> vector<16xf32>
    %reduce_sum3A_12 = vector.extract %reduce_sum3A_11[15] : f32 from vector<16xf32>
    %add3A_13 = vector.broadcast %reduce_sum3A_12 : f32 to vector<16xf32>
    %add3A_14 = arith.addf %sub3A_9, %add3A_13 : vector<16xf32>
    %swap3A_15 = arith.constant 16 : index
    %swap3A_16 = tpu.vector_load %arg7[%swap3A_15] {strides = array<i32>} : memref<32xf32, #tpu.memory_space<vmem>>, vector<16xf32>,
    tpu.vector_store %arg7[%swap3A_15], %add3A_14 {strides = array<i32>} : memref<32xf32, #tpu.memory_space<vmem>>, vector<16xf32>,
    %scan3A = arith.constant 0 : i32
    %scan3A_17 = arith.constant 0 : i32
    %scan3A_18 = arith.constant 2 : i32
    %scan3A_19 = arith.addi %scan3A_17, %scan3A_18 : i32
    %scan3A_20 = arith.constant 1 : i32
    %scan3A_21 = scf.for %scan3A_23 = %scan3A_17 to %scan3A_19 step %scan3A_20 iter_args(%scan3A_24 = %scan3A) -> (i32)  : i32 {
      %mul3A_25 = arith.constant 3200 : i32
      %mul3A_26 = arith.muli %add3A, %mul3A_25 : i32
      %mul3A_27 = arith.constant 1600 : i32
      %mul3A_28 = arith.muli %scan3A_23, %mul3A_27 : i32
      %add3A_29 = arith.addi %mul3A_26, %mul3A_28 : i32
      %multiple_of3A = tpu.assume_multiple %add3A_29, 8 : i32
      "tpu.region"() ({
        %run_scoped3A = tpu.sem_alloc : memref<!tpu.dma_semaphore, #tpu.memory_space<semaphore_mem>>
        %dma_start3A_51 = tpu.memref_slice %arg4[%multiple_of3A] : memref<102408xi32, #tpu.memory_space<hbm>> -> memref<1608xi32, #tpu.memory_space<hbm>>
        %dma_start3A_52 = tpu.memref_slice %arg4[%multiple_of3A] : memref<102408xi32, #tpu.memory_space<hbm>> -> memref<1608xi32, #tpu.memory_space<hbm>>
        tpu.enqueue_dma source(%dma_start3A_52 : memref<1608xi32, #tpu.memory_space<hbm>>) target(%arg8 : memref<1608xi32, #tpu.memory_space<vmem>>) target_semaphore(%run_scoped3A : memref<!tpu.dma_semaphore, #tpu.memory_space<semaphore_mem>>)
        %dma_wait3A_53 = tpu.memref_slice %arg4[%multiple_of3A] : memref<102408xi32, #tpu.memory_space<hbm>> -> memref<1608xi32, #tpu.memory_space<hbm>>
        %dma_wait3A_54 = tpu.memref_slice %arg4[%multiple_of3A] : memref<102408xi32, #tpu.memory_space<hbm>> -> memref<1608xi32, #tpu.memory_space<hbm>>
        tpu.wait_dma2 semaphore(%run_scoped3A : memref<!tpu.dma_semaphore, #tpu.memory_space<semaphore_mem>>) src(%dma_wait3A_54 : memref<1608xi32, #tpu.memory_space<hbm>>) dst(%arg8 : memref<1608xi32, #tpu.memory_space<vmem>>)
        tpu.yield
      }) : () -> ()
      %scan3A_30 = arith.constant 0 : i32
      %scan3A_31 = arith.constant 0 : i32
      %scan3A_32 = arith.constant 100 : i32
      %scan3A_33 = arith.addi %scan3A_31, %scan3A_32 : i32
      %scan3A_34 = arith.constant 1 : i32
      %scan3A_35 = scf.for %scan3A_51 = %scan3A_31 to %scan3A_33 step %scan3A_34 iter_args(%scan3A_52 = %scan3A_30) -> (i32)  : i32 {
        %mul3A_53 = arith.constant 16 : i32
        %mul3A_54 = arith.muli %scan3A_51, %mul3A_53 : i32
        %get3A_55 = arith.index_cast %mul3A_54 : i32 to index
        %get3A_56 = tpu.vector_load %arg8[%get3A_55] {strides = array<i32>} : memref<1608xi32, #tpu.memory_space<vmem>>, vector<16xi32>,
        %mul3A_57 = arith.constant 16 : i32
        %mul3A_58 = arith.muli %scan3A_51, %mul3A_57 : i32
        %add3A_59 = arith.constant 1 : i32
        %add3A_60 = arith.addi %mul3A_58, %add3A_59 : i32
        %get3A_61 = arith.index_cast %add3A_60 : i32 to index
        %get3A_62 = tpu.vector_load %arg8[%get3A_61] {strides = array<i32>} : memref<1608xi32, #tpu.memory_space<vmem>>, vector<16xi32>,
        %sub3A_63 = arith.constant 1 : i32
        %sub3A_64 = vector.broadcast %sub3A_63 : i32 to vector<16xi32>
        %sub3A_65 = arith.subi %get3A_62, %sub3A_64 : vector<16xi32>
        %max3A = arith.constant 0 : i32
        %max3A_66 = vector.broadcast %max3A : i32 to vector<16xi32>
        %max3A_67 = arith.maxsi %sub3A_65, %max3A_66 : vector<16xi32>
        %mul3A_68 = arith.constant 16 : i32
        %mul3A_69 = arith.muli %scan3A_51, %mul3A_68 : i32
        %swap3A_70 = arith.index_cast %mul3A_69 : i32 to index
        %swap3A_71 = tpu.vector_load %arg9[%swap3A_70] {strides = array<i32>} : memref<1600xi32, #tpu.memory_space<vmem>>, vector<16xi32>,
        tpu.vector_store %arg9[%swap3A_70], %max3A_67 {strides = array<i32>} : memref<1600xi32, #tpu.memory_space<vmem>>, vector<16xi32>,
        %sub3A_72 = arith.constant 1 : i32
        %sub3A_73 = vector.broadcast %sub3A_72 : i32 to vector<16xi32>
        %sub3A_74 = arith.subi %get3A_56, %sub3A_73 : vector<16xi32>
        %max3A_75 = arith.constant 0 : i32
        %max3A_76 = vector.broadcast %max3A_75 : i32 to vector<16xi32>
        %max3A_77 = arith.maxsi %sub3A_74, %max3A_76 : vector<16xi32>
        %mul3A_78 = arith.constant 16 : i32
        %mul3A_79 = arith.muli %scan3A_51, %mul3A_78 : i32
        %swap3A_80 = arith.index_cast %mul3A_79 : i32 to index
        %swap3A_81 = tpu.vector_load %arg10[%swap3A_80] {strides = array<i32>} : memref<1600xi32, #tpu.memory_space<vmem>>, vector<16xi32>,
        tpu.vector_store %arg10[%swap3A_80], %max3A_77 {strides = array<i32>} : memref<1600xi32, #tpu.memory_space<vmem>>, vector<16xi32>,
        %scan3A_82 = arith.constant 0 : i32
        scf.yield %scan3A_82 : i32
      }
      %scan3A_36 = arith.constant 100 : i32
      %dma_start3A = arith.constant 0 : i32
      %dma_start3A_37 = tpu.memref_slice %arg2[%dma_start3A] : memref<6400000xf32, #tpu.memory_space<hbm>> -> memref<6400000xf32, #tpu.memory_space<hbm>>
      tpu.enqueue_indirect_dma source(%dma_start3A_37 : memref<6400000xf32, #tpu.memory_space<hbm>>) target(%arg11 : memref<1600xf32, #tpu.memory_space<vmem>>) offsets(%arg9 : memref<1600xi32, #tpu.memory_space<vmem>>) semaphore(%arg14 : memref<!tpu.dma_semaphore, #tpu.memory_space<semaphore_mem>>)
      %dma_wait3A = arith.constant 0 : i32
      %dma_wait3A_38 = tpu.memref_slice %arg2[%dma_wait3A] : memref<6400000xf32, #tpu.memory_space<hbm>> -> memref<6400000xf32, #tpu.memory_space<hbm>>
      tpu.wait_indirect_dma semaphore(%arg14 : memref<!tpu.dma_semaphore, #tpu.memory_space<semaphore_mem>>) src(%dma_wait3A_38 : memref<6400000xf32, #tpu.memory_space<hbm>>) dst(%arg11 : memref<1600xf32, #tpu.memory_space<vmem>>)
      %dma_start3A_39 = arith.constant 0 : i32
      %dma_start3A_40 = tpu.memref_slice %arg2[%dma_start3A_39] : memref<6400000xf32, #tpu.memory_space<hbm>> -> memref<6400000xf32, #tpu.memory_space<hbm>>
      tpu.enqueue_indirect_dma source(%dma_start3A_40 : memref<6400000xf32, #tpu.memory_space<hbm>>) target(%arg12 : memref<1600xf32, #tpu.memory_space<vmem>>) offsets(%arg10 : memref<1600xi32, #tpu.memory_space<vmem>>) semaphore(%arg14 : memref<!tpu.dma_semaphore, #tpu.memory_space<semaphore_mem>>)
      %dma_wait3A_41 = arith.constant 0 : i32
      %dma_wait3A_42 = tpu.memref_slice %arg2[%dma_wait3A_41] : memref<6400000xf32, #tpu.memory_space<hbm>> -> memref<6400000xf32, #tpu.memory_space<hbm>>
      tpu.wait_indirect_dma semaphore(%arg14 : memref<!tpu.dma_semaphore, #tpu.memory_space<semaphore_mem>>) src(%dma_wait3A_42 : memref<6400000xf32, #tpu.memory_space<hbm>>) dst(%arg12 : memref<1600xf32, #tpu.memory_space<vmem>>)
      %scan3A_43 = arith.constant 0 : i32
      %scan3A_44 = arith.constant 0 : i32
      %scan3A_45 = arith.constant 100 : i32
      %scan3A_46 = arith.addi %scan3A_44, %scan3A_45 : i32
      %scan3A_47 = arith.constant 1 : i32
      %scan3A_48 = scf.for %scan3A_51 = %scan3A_44 to %scan3A_46 step %scan3A_47 iter_args(%scan3A_52 = %scan3A_43) -> (i32)  : i32 {
        %mul3A_53 = arith.constant 16 : i32
        %mul3A_54 = arith.muli %scan3A_51, %mul3A_53 : i32
        %get3A_55 = arith.index_cast %mul3A_54 : i32 to index
        %get3A_56 = tpu.vector_load %arg8[%get3A_55] {strides = array<i32>} : memref<1608xi32, #tpu.memory_space<vmem>>, vector<16xi32>,
        %mul3A_57 = arith.constant 16 : i32
        %mul3A_58 = arith.muli %scan3A_51, %mul3A_57 : i32
        %add3A_59 = arith.constant 1 : i32
        %add3A_60 = arith.addi %mul3A_58, %add3A_59 : i32
        %get3A_61 = arith.index_cast %add3A_60 : i32 to index
        %get3A_62 = tpu.vector_load %arg8[%get3A_61] {strides = array<i32>} : memref<1608xi32, #tpu.memory_space<vmem>>, vector<16xi32>,
        %sub3A_63 = arith.constant 1 : i32
        %sub3A_64 = vector.broadcast %sub3A_63 : i32 to vector<16xi32>
        %sub3A_65 = arith.subi %get3A_62, %sub3A_64 : vector<16xi32>
        %sub3A_66 = arith.constant 1 : i32
        %sub3A_67 = vector.broadcast %sub3A_66 : i32 to vector<16xi32>
        %sub3A_68 = arith.subi %get3A_56, %sub3A_67 : vector<16xi32>
        %max3A = arith.constant 0 : i32
        %max3A_69 = vector.broadcast %max3A : i32 to vector<16xi32>
        %max3A_70 = arith.maxsi %sub3A_65, %max3A_69 : vector<16xi32>
        %max3A_71 = arith.constant 0 : i32
        %max3A_72 = vector.broadcast %max3A_71 : i32 to vector<16xi32>
        %max3A_73 = arith.maxsi %sub3A_68, %max3A_72 : vector<16xi32>
        %jit3A = arith.constant 200000 : i32
        %div3A = vector.broadcast %jit3A : i32 to vector<16xi32>
        %div3A_74 = arith.divsi %max3A_70, %div3A : vector<16xi32>
        %sign3A = arith.constant 0 : i32
        %sign3A_75 = vector.broadcast %sign3A : i32 to vector<16xi32>
        %sign3A_76 = arith.cmpi sgt, %max3A_70, %sign3A_75 : vector<16xi32>
        %sign3A_77 = arith.extui %sign3A_76 : vector<16xi1> to vector<16xi32>
        %sign3A_78 = arith.constant 0 : i32
        %sign3A_79 = vector.broadcast %sign3A_78 : i32 to vector<16xi32>
        %sign3A_80 = arith.cmpi slt, %max3A_70, %sign3A_79 : vector<16xi32>
        %sign3A_81 = arith.extui %sign3A_80 : vector<16xi1> to vector<16xi32>
        %sign3A_82 = arith.subi %sign3A_77, %sign3A_81 : vector<16xi32>
        %sign3A_83 = arith.constant 0 : i32
        %sign3A_84 = arith.cmpi sgt, %jit3A, %sign3A_83 : i32
        %sign3A_85 = arith.extui %sign3A_84 : i1 to i32
        %sign3A_86 = arith.constant 0 : i32
        %sign3A_87 = arith.cmpi slt, %jit3A, %sign3A_86 : i32
        %sign3A_88 = arith.extui %sign3A_87 : i1 to i32
        %sign3A_89 = arith.subi %sign3A_85, %sign3A_88 : i32
        %ne3A = vector.broadcast %sign3A_89 : i32 to vector<16xi32>
        %ne3A_90 = arith.cmpi ne, %sign3A_82, %ne3A : vector<16xi32>
        %rem3A = vector.broadcast %jit3A : i32 to vector<16xi32>
        %rem3A_91 = arith.remsi %max3A_70, %rem3A : vector<16xi32>
        %ne3A_92 = arith.constant 0 : i32
        %ne3A_93 = vector.broadcast %ne3A_92 : i32 to vector<16xi32>
        %ne3A_94 = arith.cmpi ne, %rem3A_91, %ne3A_93 : vector<16xi32>
        %and3A = arith.andi %ne3A_90, %ne3A_94 : vector<16xi1>
        %sub3A_95 = arith.constant 1 : i32
        %sub3A_96 = vector.broadcast %sub3A_95 : i32 to vector<16xi32>
        %sub3A_97 = arith.subi %div3A_74, %sub3A_96 : vector<16xi32>
        %select_n3A = arith.select %and3A, %sub3A_97, %div3A_74 : vector<16xi1>, vector<16xi32>
        %gather3A = tpu.vector_load_idx %arg7[%select_n3A] : memref<32xf32, #tpu.memory_space<vmem>>[vector<16xi32>], vector<16xf32>,
        %jit3A_98 = arith.constant 200000 : i32
        %div3A_99 = vector.broadcast %jit3A_98 : i32 to vector<16xi32>
        %div3A_100 = arith.divsi %max3A_73, %div3A_99 : vector<16xi32>
        %sign3A_101 = arith.constant 0 : i32
        %sign3A_102 = vector.broadcast %sign3A_101 : i32 to vector<16xi32>
        %sign3A_103 = arith.cmpi sgt, %max3A_73, %sign3A_102 : vector<16xi32>
        %sign3A_104 = arith.extui %sign3A_103 : vector<16xi1> to vector<16xi32>
        %sign3A_105 = arith.constant 0 : i32
        %sign3A_106 = vector.broadcast %sign3A_105 : i32 to vector<16xi32>
        %sign3A_107 = arith.cmpi slt, %max3A_73, %sign3A_106 : vector<16xi32>
        %sign3A_108 = arith.extui %sign3A_107 : vector<16xi1> to vector<16xi32>
        %sign3A_109 = arith.subi %sign3A_104, %sign3A_108 : vector<16xi32>
        %sign3A_110 = arith.constant 0 : i32
        %sign3A_111 = arith.cmpi sgt, %jit3A_98, %sign3A_110 : i32
        %sign3A_112 = arith.extui %sign3A_111 : i1 to i32
        %sign3A_113 = arith.constant 0 : i32
        %sign3A_114 = arith.cmpi slt, %jit3A_98, %sign3A_113 : i32
        %sign3A_115 = arith.extui %sign3A_114 : i1 to i32
        %sign3A_116 = arith.subi %sign3A_112, %sign3A_115 : i32
        %ne3A_117 = vector.broadcast %sign3A_116 : i32 to vector<16xi32>
        %ne3A_118 = arith.cmpi ne, %sign3A_109, %ne3A_117 : vector<16xi32>
        %rem3A_119 = vector.broadcast %jit3A_98 : i32 to vector<16xi32>
        %rem3A_120 = arith.remsi %max3A_73, %rem3A_119 : vector<16xi32>
        %ne3A_121 = arith.constant 0 : i32
        %ne3A_122 = vector.broadcast %ne3A_121 : i32 to vector<16xi32>
        %ne3A_123 = arith.cmpi ne, %rem3A_120, %ne3A_122 : vector<16xi32>
        %and3A_124 = arith.andi %ne3A_118, %ne3A_123 : vector<16xi1>
        %sub3A_125 = arith.constant 1 : i32
        %sub3A_126 = vector.broadcast %sub3A_125 : i32 to vector<16xi32>
        %sub3A_127 = arith.subi %div3A_100, %sub3A_126 : vector<16xi32>
        %select_n3A_128 = arith.select %and3A_124, %sub3A_127, %div3A_100 : vector<16xi1>, vector<16xi32>
        %gather3A_129 = tpu.vector_load_idx %arg7[%select_n3A_128] : memref<32xf32, #tpu.memory_space<vmem>>[vector<16xi32>], vector<16xf32>,
        %lt3A = arith.constant 0 : i32
        %lt3A_130 = vector.broadcast %lt3A : i32 to vector<16xi32>
        %lt3A_131 = arith.cmpi slt, %sub3A_65, %lt3A_130 : vector<16xi32>
        %mul3A_132 = arith.constant 16 : i32
        %mul3A_133 = arith.muli %scan3A_51, %mul3A_132 : i32
        %get3A_134 = arith.index_cast %mul3A_133 : i32 to index
        %get3A_135 = tpu.vector_load %arg11[%get3A_134] {strides = array<i32>} : memref<1600xf32, #tpu.memory_space<vmem>>, vector<16xf32>,
        %add3A_136 = arith.addf %get3A_135, %gather3A : vector<16xf32>
        %jit3A_137 = arith.constant 0.000000e+00 : f32
        %broadcast_in_dim3A_138 = vector.broadcast %jit3A_137 : f32 to vector<16xf32>
        %select_n3A_139 = arith.select %lt3A_131, %broadcast_in_dim3A_138, %add3A_136 : vector<16xi1>, vector<16xf32>
        %lt3A_140 = arith.constant 0 : i32
        %lt3A_141 = vector.broadcast %lt3A_140 : i32 to vector<16xi32>
        %lt3A_142 = arith.cmpi slt, %sub3A_68, %lt3A_141 : vector<16xi32>
        %mul3A_143 = arith.constant 16 : i32
        %mul3A_144 = arith.muli %scan3A_51, %mul3A_143 : i32
        %get3A_145 = arith.index_cast %mul3A_144 : i32 to index
        %get3A_146 = tpu.vector_load %arg12[%get3A_145] {strides = array<i32>} : memref<1600xf32, #tpu.memory_space<vmem>>, vector<16xf32>,
        %add3A_147 = arith.addf %get3A_146, %gather3A_129 : vector<16xf32>
        %jit3A_148 = arith.constant 0.000000e+00 : f32
        %broadcast_in_dim3A_149 = vector.broadcast %jit3A_148 : f32 to vector<16xf32>
        %select_n3A_150 = arith.select %lt3A_142, %broadcast_in_dim3A_149, %add3A_147 : vector<16xi1>, vector<16xf32>
        %sub3A_151 = arith.subf %select_n3A_139, %select_n3A_150 : vector<16xf32>
        %mul3A_152 = arith.constant 16 : i32
        %mul3A_153 = arith.muli %scan3A_51, %mul3A_152 : i32
        %swap3A_154 = arith.index_cast %mul3A_153 : i32 to index
        %swap3A_155 = tpu.vector_load %arg13[%swap3A_154] {strides = array<i32>} : memref<1600xf32, #tpu.memory_space<vmem>>, vector<16xf32>,
        tpu.vector_store %arg13[%swap3A_154], %sub3A_151 {strides = array<i32>} : memref<1600xf32, #tpu.memory_space<vmem>>, vector<16xf32>,
        %scan3A_156 = arith.constant 0 : i32
        scf.yield %scan3A_156 : i32
      }
      %scan3A_49 = arith.constant 100 : i32
      "tpu.region"() ({
        %run_scoped3A = tpu.sem_alloc : memref<!tpu.dma_semaphore, #tpu.memory_space<semaphore_mem>>
        %dma_start3A_51 = tpu.memref_slice %arg5[%multiple_of3A] : memref<102400xf32, #tpu.memory_space<hbm>> -> memref<1600xf32, #tpu.memory_space<hbm>>
        %dma_start3A_52 = tpu.memref_slice %arg5[%multiple_of3A] : memref<102400xf32, #tpu.memory_space<hbm>> -> memref<1600xf32, #tpu.memory_space<hbm>>
        tpu.enqueue_dma source(%arg13 : memref<1600xf32, #tpu.memory_space<vmem>>) target(%dma_start3A_52 : memref<1600xf32, #tpu.memory_space<hbm>>) target_semaphore(%run_scoped3A : memref<!tpu.dma_semaphore, #tpu.memory_space<semaphore_mem>>)
        %dma_wait3A_53 = tpu.memref_slice %arg5[%multiple_of3A] : memref<102400xf32, #tpu.memory_space<hbm>> -> memref<1600xf32, #tpu.memory_space<hbm>>
        %dma_wait3A_54 = tpu.memref_slice %arg5[%multiple_of3A] : memref<102400xf32, #tpu.memory_space<hbm>> -> memref<1600xf32, #tpu.memory_space<hbm>>
        tpu.wait_dma2 semaphore(%run_scoped3A : memref<!tpu.dma_semaphore, #tpu.memory_space<semaphore_mem>>) src(%arg13 : memref<1600xf32, #tpu.memory_space<vmem>>) dst(%dma_wait3A_54 : memref<1600xf32, #tpu.memory_space<hbm>>)
        tpu.yield
      }) : () -> ()
      %scan3A_50 = arith.constant 0 : i32
      scf.yield %scan3A_50 : i32
    }
    %scan3A_22 = arith.constant 2 : i32
    return
  }
}

</mosaic_0001>

<sc_bundles>
// kernel: kernel.4.cloned.1.call-start
scs
__scs_entry_jumppad:
0x0: {  	(pc) =	sbr.rel $0x88, $3  }
0x1: {  	(tag) =	ssettag $0x0;
	lr =	simm.s32 $0x1  }
0x2: {  	[smem:$0x3F9D] =	sst lr;
	_ =	strace $0xD0000000  }
0x3: {  	_ = 	snop  }
0x4: {  	_ = 	snop  }
0x5: {  	_ = 	snop  }
0x6: {  	_ = 	snop  }
0x7: {  	_ = 	snop  }
__scs_overlays_trampoline_lowered:
0x8: {  	[smem:$0x3FAC] =	sst s0  }
0x9: {  	[smem:$0x3FAD] =	sst s1  }
0xa: {  	[smem:$0x3FAE] =	sst s2  }
0xb: {  	[smem:$0x3FAF] =	sst s3  }
0xc: {  	[smem:$0x3FB0] =	sst s4  }
0xd: {  	[smem:$0x3FB1] =	sst s5  }
0xe: {  	[smem:$0x3FB2] =	sst s6  }
0xf: {  	[smem:$0x3FB3] =	sst s7  }
0x10: {  	[smem:$0x3FB4] =	sst s8  }
0x11: {  	[smem:$0x3FB5] =	sst s9;
	s0 =	simm.s32 @!p0 $0x0  }
0x12: {  	s1 =	sld [smem:$0x3F9B];
	s0 =	simm.s32 @p0 $0x1  }
0x13: {  	[smem:$0x3FB6] =	sst s0;
	s0 =	simm.s32 @!p1 $0x0  }
0x14: {  	s2 =	sld [smem:$0x3F9A];
	s0 =	simm.s32 @p1 $0x1  }
0x15: {  	[smem:$0x3FB7] =	sst s0;
	s0 =	simm.s32 @!p2 $0x0  }
0x16: {  	s3 =	sld [smem:$0x3FDB];
	s0 =	simm.s32 @p2 $0x1  }
0x17: {  	s4 =	simm.s32 $0x1BF5;
	[smem:$0x3FB9] =	sst s0  }
0x18: {  	s0 =	sld [smem:$0x3F9C];
	_ =	swait.ge [sflag:s4], $0x0  }
0x19: {  	s7 =	sld [smem:$0x3F9D]  }
0x1a: {  	s8 =	sadd.s32 $0xFFFFE003, lr  }
0x1b: {  	s9 =	sadd.s32 $0xFFFFFEF7, lr;
	s5 =	simm.s32 $0xFFFFFFFF;
	p2 =	slt.u32 s8, $0xFFFFF086  }
0x1c: {  	p1 =	slt.u32 s9, $0xF7A;
	s5 =	simm.s32 @!p2 $0x0  }
0x1d: {  	s5 =	simm.s32 @p1 $0x1;
	p0 =	seq.s32 s7, s2  }
0x1e: {  	s7 =	smul.u32 @!p0 $0xF7A, s2;
	p2 =	seq.s32 @!p0 s5, $0x0  }
0x1f: {  	s9 =	smul.u32 $0xF7A, s1;
	s8 =	simm.s32 @!p0 $0x1BF5;
	p2 =	por !p2, p0  }
0x20: {  	[sflag:s8] =	ssyncset.s32 @!p0 $0xFFFFF086;
	s6 =	sadd.s32 @!p0 s3, s7;
	s7 =	simm.s32 @!p0 $0x108  }
0x21: {  	s3 =	sadd.s32 s3, s9;
	s6 =	sadd.s32 @!p0 $0x88, s6;
	s7 =	simm.s32 @p2 $0x1082  }
0x22: {  	[simem:s7], [sflag:s8] =	dma.local @!p0 [hbm:s6], $0xF7A  }
0x23: {  	s9 =	sor.u32 $0xD0000000, s2;
	s6 =	simm.s32 $0x108;
	_ =	swait.ge @!p0 [sflag:s8], $0x0  }
0x24: {  	s3 =	sadd.s32 $0x88, s3;
	s6 =	simm.s32 @!p1 $0x1082;
	[sflag:s4] =	ssyncset.s32 $0xFFFFF086  }
0x25: {  	[simem:s6], [sflag:s4] =	dma.local [hbm:s3], $0xF7A  }
0x26: {  	[smem:$0x3F9D] =	sst s1;
	(tag) =	ssettag s2;
	_ =	strace s9  }
0x27: {  	s1 =	sld [smem:$0x3FAD]  }
0x28: {  	s2 =	sld [smem:$0x3FAE]  }
0x29: {  	s4 =	sld [smem:$0x3FB0]  }
0x2a: {  	p0 =	seq.s32 s5, $0x0;
	s5 =	sld [smem:$0x3FB1]  }
0x2b: {  	s6 =	sld [smem:$0x3FB2]  }
0x2c: {  	s7 =	sld [smem:$0x3FB3]  }
0x2d: {  	s3 =	simm.s32 $0x108;
	s8 =	sld [smem:$0x3FB4]  }
0x2e: {  	s3 =	simm.s32 @!p0 $0x1082;
	s9 =	sld [smem:$0x3FB5]  }
0x2f: {  	lr =	sadd.s32 s0, s3;
	s0 =	sld [smem:$0x3FAC]  }
0x30: {  	s3 =	sld [smem:$0x3FAF]  }
0x31: {  	[smem:$0x3FB8] =	sst s10  }
0x32: {  	s10 =	sld [smem:$0x3FB6];
	_ =	sdelay $0x3  }
0x33: {  	p0 =	seq.s32 s10, $0x1;
	s10 =	sld [smem:$0x3FB8];
	_ =	sdelay $0x3  }
0x34: {  	[smem:$0x3FB8] =	sst s10  }
0x35: {  	s10 =	sld [smem:$0x3FB7];
	_ =	sdelay $0x3  }
0x36: {  	p1 =	seq.s32 s10, $0x1;
	s10 =	sld [smem:$0x3FB8];
	_ =	sdelay $0x3  }
0x37: {  	[smem:$0x3FB8] =	sst s10  }
0x38: {  	s10 =	sld [smem:$0x3FB9]  }
0x39: {  	_ = 	snop;
	(pc) =	sbr.ind lr, $3  }
0x3a: {  	_ = 	snop  }
0x3b: {  	_ = 	snop  }
0x3c: {  	p2 =	seq.s32 s10, $0x1;
	s10 =	sld [smem:$0x3FB8]  }
0x3d: {  	_ =	shalt  }
0x3e: {  	_ =	shalt  }
0x3f: {  	_ =	shalt  }
0x40: {  	_ =	shalt  }
0x41: {  	_ =	shalt  }
0x42: {  	_ =	shalt  }
0x43: {  	_ =	shalt  }
0x44: {  	_ =	shalt  }
0x45: {  	_ =	shalt  }
0x46: {  	_ =	shalt  }
0x47: {  	_ =	shalt  }
0x48: {  	_ =	shalt  }
0x49: {  	_ =	shalt  }
0x4a: {  	_ =	shalt  }
0x4b: {  	_ =	shalt  }
0x4c: {  	_ =	shalt  }
0x4d: {  	_ =	shalt  }
0x4e: {  	_ =	shalt  }
0x4f: {  	_ =	shalt  }
0x50: {  	_ =	shalt  }
0x51: {  	_ =	shalt  }
0x52: {  	_ =	shalt  }
0x53: {  	_ =	shalt  }
0x54: {  	_ =	shalt  }
0x55: {  	_ =	shalt  }
0x56: {  	_ =	shalt  }
0x57: {  	_ =	shalt  }
0x58: {  	_ =	shalt  }
0x59: {  	_ =	shalt  }
0x5a: {  	_ =	shalt  }
0x5b: {  	_ =	shalt  }
0x5c: {  	_ =	shalt  }
0x5d: {  	_ =	shalt  }
0x5e: {  	_ =	shalt  }
0x5f: {  	_ =	shalt  }
0x60: {  	_ =	shalt  }
0x61: {  	_ =	shalt  }
0x62: {  	_ =	shalt  }
0x63: {  	_ =	shalt  }
0x64: {  	_ =	shalt  }
0x65: {  	_ =	shalt  }
0x66: {  	_ =	shalt  }
0x67: {  	_ =	shalt  }
0x68: {  	_ =	shalt  }
0x69: {  	_ =	shalt  }
0x6a: {  	_ =	shalt  }
0x6b: {  	_ =	shalt  }
0x6c: {  	_ =	shalt  }
0x6d: {  	_ =	shalt  }
0x6e: {  	_ =	shalt  }
0x6f: {  	_ =	shalt  }
0x70: {  	_ =	shalt  }
0x71: {  	_ =	shalt  }
0x72: {  	_ =	shalt  }
0x73: {  	_ =	shalt  }
0x74: {  	_ =	shalt  }
0x75: {  	_ =	shalt  }
0x76: {  	_ =	shalt  }
0x77: {  	_ =	shalt  }
0x78: {  	_ =	shalt  }
0x79: {  	_ =	shalt  }
0x7a: {  	_ =	shalt  }
0x7b: {  	_ =	shalt  }
0x7c: {  	_ =	shalt  }
0x7d: {  	_ =	shalt  }
0x7e: {  	_ =	shalt  }
0x7f: {  	_ =	shalt  }
0x80: {  	_ =	shalt  }
0x81: {  	_ =	shalt  }
0x82: {  	_ =	shalt  }
0x83: {  	_ =	shalt  }
0x84: {  	_ =	shalt  }
0x85: {  	_ =	shalt  }
0x86: {  	_ =	shalt  }
0x87: {  	_ =	shalt  }
.Lfunc_end0:
.L_simem_size_0:
called_computation_lowered:
.L_overlay_start_0:
0x88: {  	s2 =	sld [smem:$0x3FD9]  }
0x89: {  	s3 =	sld [smem:$0x3FFE];
	_ =	sdelay $0x1  }
0x8a: {  	s1 =	srdreg.scid  }
0x8b: {  	s0 =	sand.u32 $0x1, s1  }
0x8c: {  	s17 =	sshll.u32 s0, $0xA;
	s2 =	sadd.s32 s3, s2  }
0x8d: {  	s2 =	sadd.s32 s2, s17  }
0x8e: {  	[smem:$0x3FC4] =	sst s2  }
0x8f: {  	_ = 	snop  }
0x90: {  	s2 =	sld [smem:$0x3FC9]  }
0x91: {  	s18 =	sld [smem:$0x3FC8]  }
0x92: {  	s4 =	sld [smem:$0x3FC6]  }
0x93: {  	s5 =	sld [smem:$0x3FD0];
	(tm) =	ssettm $0x1  }
0x94: {  	s6 =	sld [smem:$0x3FFB];
	_ =	sdelay $0x3  }
0x95: {  	_ =	strace s6  }
0x96: {  	s6 =	sld [smem:$0x3FFC];
	_ =	sdelay $0x3  }
0x97: {  	_ =	strace s6  }
0x98: {  	s6 =	sld [smem:$0x3FFD];
	_ =	sdelay $0x3  }
0x99: {  	_ =	strace s6  }
0x9a: {  	_ =	strace $0x8FFFFFFF  }
0x9b: {  	s19 =	sld [smem:$0x3FDB];
	_ =	sdelay $0x1  }
0x9c: {  	s7 =	simm.s32 $_scs_section_size  }
0x9d: {  	s8 =	simm.s32 $_size__tile_overlayer_lowered;
	s9 =	simm.s32 $_tile_overlayer_lowered  }
0x9e: {  	s22 =	simm.s32 $0x1BFF;
	s21 =	sshll.u32 s9, $0x1;
	s6 =	sadd.s32 s7, s19  }
0x9f: {  	s10 =	simm.s32 $0x0;
	s20 =	sshll.u32 s8, $0x1;
	s8 =	sadd.s32 s21, s6  }
0xa0: {  	[timem:s10], [sflag:s22] =	dma.local [hbm:s8], s20  }
0xa1: {  	_ =	swait.ge [sflag:s22], s20  }
0xa2: {  	s7 =	ssub.s32 $0x0, s20;
	[sflag:s22] =	ssyncset.done $0x0  }
0xa3: {  	[sflag:s22] =	ssyncadd.s32 s7;
	_ =	sdelay $0x1  }
0xa4: {  	s23 =	simm.s32 $0x1B8B  }
0xa5: {  	_ =	swait.ge [sflag:s23], $0x1  }
0xa6: {  	[sflag:s23] =	ssyncset.done $0x0  }
0xa7: {  	s25 =	simm.s32 $0x1B8E;
	s24 =	sld [smem:$0x3FFE];
	[sflag:s23] =	ssyncadd.s32 $0xFFFFFFFF  }
0xa8: {  	s26 =	simm.s32 $execute0_lowered;
	[smem:$0x3FD2] =	sst s25  }
0xa9: {  	s8 =	sshll.u32 s26, $0x1;
	_ =	strace $0x80000046;
	[dreg:$0x1] =	wrdreg $0xFFFFFFFF  }
0xaa: {  	s28 =	simm.s32 $_size_execute0_lowered;
	s6 =	sadd.s32 s6, s8;
	[dreg:$0x0] =	wrdreg $0x0  }
0xab: {  	s8 =	sshll.u32 s28, $0x1;
	[dreg:$0x2] =	wrdreg s6  }
0xac: {  	[dreg:$0x3] =	wrdreg s8  }
0xad: {  	[dreg:$0x4] =	wrdreg $0xC0  }
0xae: {  	_ =	task [dreg:s10], $0x5FFFF  }
0xaf: {  	[dreg:$0x1] =	wrdreg $0xFFFFFFFF  }
0xb0: {  	[dreg:$0x0] =	wrdreg $0x60  }
0xb1: {  	[dreg:$0x2] =	wrdreg s2  }
0xb2: {  	[dreg:$0x3] =	wrdreg s18  }
0xb3: {  	[dreg:$0x4] =	wrdreg s4  }
0xb4: {  	[dreg:$0x5] =	wrdreg s24  }
0xb5: {  	[dreg:$0x6] =	wrdreg s5  }
0xb6: {  	[dreg:$0x7] =	wrdreg $0x9  }
0xb7: {  	_ =	task.clear_ibuf [dreg:s10], $0x8FFFF;
	_ =	strace $0x90000046  }
0xb8: {  	s29 =	simm.s32 $0x9;
	_ =	strace $0x80000048  }
0xb9: {  	_ =	swait.ge [sflag:s29], $0x1  }
0xba: {  	[sflag:s29] =	ssyncadd.s32 $0xFFFFFFFF  }
0xbb: {  	_ =	strace $0x90000048  }
0xbc: {  	_ =	sfence  }
0xbd: {  	s30 =	sld [smem:$0x0];
	_ =	sdelay $0x2  }
0xbe: {  	s31 =	sshll.u32 s1, $0xD;
	s1 =	sshrl.u32 s1, $0x2  }
0xbf: {  	s3 =	sand.u32 $0x4000, s31;
	s1 =	sadd.s32 s1, s30  }
0xc0: {  	s0 =	sor.u32 s3, s0;
	s1 =	sshll.u32 s1, $0x11  }
0xc1: {  	s0 =	sor.u32 s1, s0  }
0xc2: {  	s0 =	sadd.s32 $0x8F2B, s0  }
0xc3: {  	[sflag:s0] =	ssyncadd.remote.s32 $0x1  }
0xc4: {  	_ =	sfence.sel $0xFFFF  }
0xc5: {  	[dreg:$0x0] =	wrdreg $0xFFFFFFFF;
	(pc) =	sbr.abs _section_cstart, $3  }
0xc6: {  	[dreg:$0x1] =	wrdreg $0xFFFFFFFF  }
0xc7: {  	_ =	task.clear_ibuf [dreg:s10], $0x2FFFF;
	_ =	strace $0x9FFFFFFF  }
0xc8: {  	(tm) =	ssettm $0x7FFFFFFF  }
0xc9: {  	_ =	shalt  }
tec
execute0_lowered:
.L_overlay_start_1:
0x0: {  	(tag) =	ssettag $0x1  }
0x1: {  	s2 =	rddreg [dreg:$0x1]  }
0x2: {  	s3 =	rddreg [dreg:$0x2]  }
0x3: {  	s0 =	rddreg [dreg:$0x3];
	s1 =	srdreg.scid  }
0x4: {  	s5 =	stileid.u32;
	s4 =	rddreg [dreg:$0x4];
	s15 =	simm.s32 $0x5  }
0x5: {  	s16 =	simm.s32 $0x1C700;
	s17 =	simm.s32 $0x1D700;
	s18 =	simm.s32 $0x18700  }
0x6: {  	s19 =	simm.s32 $0xFA0;
	s21 =	simm.s32 $0x19700;
	s22 =	simm.s32 $0x1B700  }
0x7: {  	s23 =	simm.s32 $0x1;
	s24 =	simm.s32 $0x3;
	s25 =	simm.s32 $0x2  }
0x8: {  	s26 =	simm.s32 $0x4;
	s29 =	simm.s32 $0x0;
	s1 =	sand.u32 $0x1, s1  }
0x9: {  	s6 =	sshll.u32 s5, $0x1;
	s5 =	simm.s32 $0x0;
	s7 =	sadd.s32 $0xA00, s0  }
0xa: {  	s11 =	sor.u32 s1, s6;
	[smem:$0x7FF] =	sst s5;
	s1 =	ssub.s32 $0x2, s1  }
0xb: {  	s6 =	smul.u32 $0x30D40, s11;
	s30 =	sshrl.u32 s1, $0x1;
	s13 =	sshll.u32 s11, $0x4  }
0xc: {  	_ =	strace $0x80000047;
	s0 =	ssub.s32 s1, s30;
	s13 =	sadd.s32 s4, s13  }
0xd: {  	s8 =	sadd.s32 $0xFA0, s6;
	s31 =	sshrl.u32 s6, $0x3;
	s12 =	sadd.s32 $0x1F40, s6  }
0xe: {  	s14 =	smax.u32 s0, $0x1;
	s10 =	sshrl.u32 s8, $0x3;
	s9 =	sadd.s32 s7, s31  }
0xf: {  	s11 =	sadd.s32 s2, s31;
	[dreg:$0x6] =	wrdreg s9;
	s10 =	sadd.s32 s7, s10  }
.LBB2_1:
0x10: {  	s0 =	rddreg [dreg:$0x0]  }
0x11: {  	[tilespmem:s5], [sflag:$0x5] =	stream.linear.gather [hbm4b:s0+s5], $0x18700, $0x38;
	[tilespmem:$0x1E780] =	vst v63  }
0x12: {  	_ =	swait.ge [sflag:s15], $0x18700  }
0x13: {  	[sflag:s15] =	ssyncset.done $0x0  }
0x14: {  	s28 =	rddreg [dreg:$0x6];
	[sflag:s15] =	ssyncadd.s32 $0xFFFE7900  }
0x15: {  	[hbm4b:s28+s5] =	stream.linear.scatter [tilespmem:s16], [sflag:$0x3], $0xFA0, $0x38;
	[tilespmem:$0x1E780] =	vst v63  }
0x16: {  	_ = 	snop  }
0x17: {  	[hbm4b:s10+s5] =	stream.linear.scatter [tilespmem:s17], [sflag:$0x4], $0xFA0, $0x38;
	[tilespmem:$0x1E780] =	vst v63  }
0x18: {  	_ = 	snop  }
0x19: {  	[tilespmem:s18], [sflag:$0x5] =	stream.linear.gather [hbm4b:s11+s5], $0xFA0, $0x38;
	[tilespmem:$0x1E780] =	vst v63  }
0x1a: {  	_ =	swait.ge [sflag:s15], $0xFA0  }
0x1b: {  	s31 =	simm.s32 $0x1A700;
	[sflag:s15] =	ssyncset.done $0x0  }
0x1c: {  	s30 =	simm.s32 $0x0;
	s0 =	simm.f32 $0.0e+00;
	[sflag:s15] =	ssyncadd.s32 $0xFFFFF060  }
0x1d: {  	[tilespmem:s31], [sflag:$0x1] =	stream.indirect.gather [hbm4b:s3+s19], $0x1, s18, s19, $0xb8;
	[tilespmem:$0x1E780] =	vst v63  }
.LBB2_2:
0x1e: {  	s4 =	smul.u32 $0x1F40, s30;
	_ =	sdelay $0x1  }
0x1f: {  	s1 =	sadd.s32 s4, s8  }
0x20: {  	s31 =	sshrl.u32 s1, $0x3  }
0x21: {  	s1 =	sadd.s32 s2, s31  }
0x22: {  	[tilespmem:s21], [sflag:$0x5] =	stream.linear.gather [hbm4b:s1+s5], $0xFA0, $0x38;
	[tilespmem:$0x1E780] =	vst v63  }
0x23: {  	_ =	swait.ge [sflag:s15], $0xFA0  }
0x24: {  	[sflag:s15] =	ssyncset.done $0x0  }
0x25: {  	[sflag:s15] =	ssyncadd.s32 $0xFFFFF060  }
0x26: {  	[tilespmem:s22], [sflag:$0x2] =	stream.indirect.gather [hbm4b:s3+s19], $0x1, s21, s19, $0xb8;
	[tilespmem:$0x1E780] =	vst v63  }
0x27: {  	_ =	swait.ge [sflag:s23], $0xFA0  }
0x28: {  	[sflag:s23] =	ssyncset.done $0x0  }
0x29: {  	[sflag:s23] =	ssyncadd.s32 $0xFFFFF060  }
0x2a: {  	_ =	swait.ge [sflag:s24], $0xFA0  }
0x2b: {  	[sflag:s24] =	ssyncset.done $0x0  }
0x2c: {  	s1 =	simm.s32 $0x1A720;
	[sflag:s24] =	ssyncadd.s32 $0xFFFFF060  }
0x2d: {  	v0 =	vld [tilespmem:s1+$0xFFFFFFE0];
	_ =	sdelay $0x7  }
0x2e: {  	v0 =	vld.idx.msk [tilespmem:v0+s5+$0x0], $0xffff;
	_ =	sdelay $0x4  }
0x2f: {  	(xrf2) =	vadd.scan.msk.f32 $0xffff, v0;
	_ =	sdelay $0x9  }
0x30: {  	v0, _, _ =	vpop (xrf2)  }
0x31: {  	v0 =	vadd.f32 s0, v0  }
0x32: {  	s0 =	simm.s32 $0x1C720  }
0x33: {  	[tilespmem:s0+$0xFFFFFFE0] =	vst v0  }
0x34: {  	v1 =	vld [tilespmem:s1+$0xFFFFFFF0];
	_ =	sdelay $0x7  }
0x35: {  	v1 =	vld.idx.msk [tilespmem:v1+s5+$0x0], $0xffff;
	_ =	sdelay $0x4  }
0x36: {  	(xrf2) =	vadd.scan.msk.f32 $0xffff, v1;
	_ =	sdelay $0x8  }
0x37: {  	v0 =	vbroadcast v0, $0xF  }
0x38: {  	v1, _, _ =	vpop (xrf2)  }
0x39: {  	v0 =	vadd.f32 v1, v0;
	_ =	sdelay $0x1  }
0x3a: {  	[tilespmem:s0+$0xFFFFFFF0] =	vst v0  }
0x3b: {  	v1 =	vld [tilespmem:s1+$0x0];
	_ =	sdelay $0x7  }
0x3c: {  	v1 =	vld.idx.msk [tilespmem:v1+s5+$0x0], $0xffff;
	_ =	sdelay $0x4  }
0x3d: {  	(xrf2) =	vadd.scan.msk.f32 $0xffff, v1;
	_ =	sdelay $0x8  }
0x3e: {  	v0 =	vbroadcast v0, $0xF  }
0x3f: {  	v1, _, _ =	vpop (xrf2)  }
0x40: {  	v0 =	vadd.f32 v1, v0;
	_ =	sdelay $0x1  }
0x41: {  	[tilespmem:s0+$0x0] =	vst v0  }
0x42: {  	v1 =	vld [tilespmem:s1+$0x10];
	_ =	sdelay $0x7  }
0x43: {  	v1 =	vld.idx.msk [tilespmem:v1+s5+$0x0], $0xffff;
	_ =	sdelay $0x4  }
0x44: {  	(xrf2) =	vadd.scan.msk.f32 $0xffff, v1;
	_ =	sdelay $0x8  }
0x45: {  	s20 =	sadd.s32 s6, s4;
	v0 =	vbroadcast v0, $0xF  }
0x46: {  	s20 =	sshrl.u32 s20, $0x3;
	v1, _, _ =	vpop (xrf2)  }
0x47: {  	s28 =	simm.s32 $0x0;
	s20 =	sadd.s32 s7, s20;
	v0 =	vadd.f32 v1, v0  }
.LBB2_3:
0x48: {  	_ = 	snop  }
0x49: {  	s28 =	sadd.s32 $0x4, s28;
	s1 =	sadd.s32 $0x40, s1;
	[tilespmem:s0+$0x10] =	vst v0;
	s0 =	sadd.s32 $0x40, s0;
	(v2sf) =	vpush v0, $0xF  }
0x4a: {  	p0 =	slt.u32 s28, $0xF4;
	v0 =	vld [tilespmem:s1+$0xFFFFFFE0];
	_ =	sdelay $0x7  }
0x4b: {  	v0 =	vld.idx.msk [tilespmem:v0+s5+$0x0], $0xffff;
	_ =	sdelay $0x5  }
0x4c: {  	(xrf2) =	vadd.scan.msk.f32 $0xffff, v0;
	s9 =	spop (v2sf);
	_ =	sdelay $0x9  }
0x4d: {  	v0, _, _ =	vpop (xrf2)  }
0x4e: {  	v0 =	vadd.f32 s9, v0;
	_ =	sdelay $0x1  }
0x4f: {  	[tilespmem:s0+$0xFFFFFFE0] =	vst v0  }
0x50: {  	v1 =	vld [tilespmem:s1+$0xFFFFFFF0];
	_ =	sdelay $0x7  }
0x51: {  	v1 =	vld.idx.msk [tilespmem:v1+s5+$0x0], $0xffff;
	_ =	sdelay $0x5  }
0x52: {  	(xrf2) =	vadd.scan.msk.f32 $0xffff, v1;
	_ =	sdelay $0x8  }
0x53: {  	v0 =	vbroadcast v0, $0xF  }
0x54: {  	v1, _, _ =	vpop (xrf2)  }
0x55: {  	v0 =	vadd.f32 v1, v0;
	_ =	sdelay $0x1  }
0x56: {  	[tilespmem:s0+$0xFFFFFFF0] =	vst v0  }
0x57: {  	v1 =	vld [tilespmem:s1+$0x0];
	_ =	sdelay $0x7  }
0x58: {  	v1 =	vld.idx.msk [tilespmem:v1+s5+$0x0], $0xffff;
	_ =	sdelay $0x5  }
0x59: {  	(xrf2) =	vadd.scan.msk.f32 $0xffff, v1;
	_ =	sdelay $0x8  }
0x5a: {  	v0 =	vbroadcast v0, $0xF  }
0x5b: {  	v1, _, _ =	vpop (xrf2)  }
0x5c: {  	v0 =	vadd.f32 v1, v0;
	_ =	sdelay $0x1  }
0x5d: {  	[tilespmem:s0+$0x0] =	vst v0  }
0x5e: {  	v1 =	vld [tilespmem:s1+$0x10];
	_ =	sdelay $0x7  }
0x5f: {  	v1 =	vld.idx.msk [tilespmem:v1+s5+$0x0], $0xffff;
	_ =	sdelay $0x5  }
0x60: {  	(xrf2) =	vadd.scan.msk.f32 $0xffff, v1;
	_ =	sdelay $0x6  }
.Ltmp0:
0x61: {  	(pc) =	sbr.rel @p0 .LBB2_3-.Ltmp0, $4  }
0x62: {  	_ = 	snop  }
0x63: {  	v0 =	vbroadcast v0, $0xF  }
0x64: {  	v1, _, _ =	vpop (xrf2)  }
0x65: {  	v0 =	vadd.f32 v1, v0  }
0x66: {  	_ = 	snop  }
0x67: {  	[tilespmem:s0+$0x10] =	vst v0  }
0x68: {  	v1 =	vld [tilespmem:$0x1B680];
	_ =	sdelay $0x7  }
0x69: {  	v1 =	vld.idx.msk [tilespmem:v1+s5+$0x0], $0xffff;
	_ =	sdelay $0x4  }
0x6a: {  	(xrf2) =	vadd.scan.msk.f32 $0xffff, v1;
	_ =	sdelay $0x5  }
0x6b: {  	v1 =	vld [tilespmem:$0x1B690];
	_ =	sdelay $0x2  }
0x6c: {  	v2 =	vbroadcast v0, $0xF  }
0x6d: {  	v3, _, _ =	vpop (xrf2)  }
0x6e: {  	v2 =	vadd.f32 v3, v2;
	_ =	sdelay $0x1  }
0x6f: {  	[tilespmem:$0x1D680] =	vst v2  }
0x70: {  	v1 =	vld.idx.msk [tilespmem:v1+s5+$0x0], $0xffff;
	_ =	sdelay $0x4  }
0x71: {  	(xrf2) =	vadd.scan.msk.f32 $0xffff, v1;
	_ =	sdelay $0x8  }
0x72: {  	(v2sf) =	vpush v0, $0xF;
	v1 =	vbroadcast v2, $0xF  }
0x73: {  	v0, _, _ =	vpop (xrf2)  }
0x74: {  	v0 =	vadd.f32 v0, v1;
	_ =	sdelay $0x1  }
0x75: {  	(v2sf) =	vpush v0, $0xF;
	_ =	sdelay $0x8  }
0x76: {  	p0 =	seq.s32 s30, $0x18  }
0x77: {  	s0 =	sadd.s32 @!p0 s4, s12  }
0x78: {  	s0 =	sshrl.u32 @!p0 s0, $0x3;
	s1 =	spop (v2sf);
	[tilespmem:$0x1D690] =	vst v0  }
0x79: {  	[hbm4b:s20+s5] =	stream.linear.scatter [tilespmem:s16], [sflag:$0x3], $0xFA0, $0x38;
	[tilespmem:$0x1E780] =	vst v63  }
0x7a: {  	s4 =	simm.s32 @!p0 $0x18700;
	s0 =	sadd.s32 @!p0 s2, s0;
	s1 =	simm.s32 @!p0 $0x0  }
0x7b: {  	[tilespmem:s4], [sflag:$0x5] =	stream.linear.gather @!p0 [hbm4b:s0+s1], $0xFA0, $0x38;
	[tilespmem:$0x1E780] =	vst v63  }
0x7c: {  	s1 =	simm.s32 @!p0 $0x5;
	s28 =	spop (v2sf)  }
0x7d: {  	_ =	swait.ge @!p0 [sflag:s1], $0xFA0  }
0x7e: {  	[sflag:s1] =	ssyncset.done @!p0 $0x0  }
0x7f: {  	s9 =	simm.s32 @!p0 $0x1A700;
	[sflag:s1] =	ssyncadd.s32 @!p0 $0xFFFFF060;
	s1 =	simm.s32 @!p0 $0xFA0  }
0x80: {  	[tilespmem:s9], [sflag:$0x1] =	stream.indirect.gather @!p0 [hbm4b:s3+s1], $0x1, s4, s1, $0xb8;
	[tilespmem:$0x1E780] =	vst v63  }
0x81: {  	_ =	swait.ge [sflag:s25], $0xFA0  }
0x82: {  	[sflag:s25] =	ssyncset.done $0x0  }
0x83: {  	[sflag:s25] =	ssyncadd.s32 $0xFFFFF060  }
0x84: {  	_ =	swait.ge [sflag:s26], $0xFA0  }
0x85: {  	[sflag:s26] =	ssyncset.done $0x0  }
0x86: {  	s1 =	simm.s32 $0x1B720;
	[sflag:s26] =	ssyncadd.s32 $0xFFFFF060  }
0x87: {  	v0 =	vld [tilespmem:s1+$0xFFFFFFE0];
	_ =	sdelay $0x7  }
0x88: {  	v0 =	vld.idx.msk [tilespmem:v0+s5+$0x0], $0xffff;
	_ =	sdelay $0x4  }
0x89: {  	(xrf2) =	vadd.scan.msk.f32 $0xffff, v0;
	_ =	sdelay $0x9  }
0x8a: {  	v0, _, _ =	vpop (xrf2)  }
0x8b: {  	v0 =	vadd.f32 s28, v0  }
0x8c: {  	s0 =	simm.s32 $0x1D720  }
0x8d: {  	[tilespmem:s0+$0xFFFFFFE0] =	vst v0  }
0x8e: {  	v1 =	vld [tilespmem:s1+$0xFFFFFFF0];
	_ =	sdelay $0x7  }
0x8f: {  	v1 =	vld.idx.msk [tilespmem:v1+s5+$0x0], $0xffff;
	_ =	sdelay $0x4  }
0x90: {  	(xrf2) =	vadd.scan.msk.f32 $0xffff, v1;
	_ =	sdelay $0x8  }
0x91: {  	v0 =	vbroadcast v0, $0xF  }
0x92: {  	v1, _, _ =	vpop (xrf2)  }
0x93: {  	v0 =	vadd.f32 v1, v0;
	_ =	sdelay $0x1  }
0x94: {  	[tilespmem:s0+$0xFFFFFFF0] =	vst v0  }
0x95: {  	v1 =	vld [tilespmem:s1+$0x0];
	_ =	sdelay $0x7  }
0x96: {  	v1 =	vld.idx.msk [tilespmem:v1+s5+$0x0], $0xffff;
	_ =	sdelay $0x4  }
0x97: {  	(xrf2) =	vadd.scan.msk.f32 $0xffff, v1;
	_ =	sdelay $0x8  }
0x98: {  	v0 =	vbroadcast v0, $0xF  }
0x99: {  	v1, _, _ =	vpop (xrf2)  }
0x9a: {  	v0 =	vadd.f32 v1, v0;
	_ =	sdelay $0x1  }
0x9b: {  	[tilespmem:s0+$0x0] =	vst v0  }
0x9c: {  	v1 =	vld [tilespmem:s1+$0x10];
	_ =	sdelay $0x7  }
0x9d: {  	v1 =	vld.idx.msk [tilespmem:v1+s5+$0x0], $0xffff;
	_ =	sdelay $0x4  }
0x9e: {  	(xrf2) =	vadd.scan.msk.f32 $0xffff, v1;
	_ =	sdelay $0x8  }
0x9f: {  	v0 =	vbroadcast v0, $0xF  }
0xa0: {  	v1, _, _ =	vpop (xrf2)  }
0xa1: {  	s20 =	simm.s32 $0x0;
	s4 =	sadd.s32 s7, s31;
	v0 =	vadd.f32 v1, v0  }
.LBB2_5:
0xa2: {  	_ = 	snop  }
0xa3: {  	s20 =	sadd.s32 $0x4, s20;
	s1 =	sadd.s32 $0x40, s1;
	[tilespmem:s0+$0x10] =	vst v0;
	s0 =	sadd.s32 $0x40, s0;
	(v2sf) =	vpush v0, $0xF  }
0xa4: {  	p0 =	slt.u32 s20, $0xF4;
	v0 =	vld [tilespmem:s1+$0xFFFFFFE0];
	_ =	sdelay $0x7  }
0xa5: {  	v0 =	vld.idx.msk [tilespmem:v0+s5+$0x0], $0xffff;
	_ =	sdelay $0x5  }
0xa6: {  	(xrf2) =	vadd.scan.msk.f32 $0xffff, v0;
	s9 =	spop (v2sf);
	_ =	sdelay $0x9  }
0xa7: {  	v0, _, _ =	vpop (xrf2)  }
0xa8: {  	v0 =	vadd.f32 s9, v0;
	_ =	sdelay $0x1  }
0xa9: {  	[tilespmem:s0+$0xFFFFFFE0] =	vst v0  }
0xaa: {  	v1 =	vld [tilespmem:s1+$0xFFFFFFF0];
	_ =	sdelay $0x7  }
0xab: {  	v1 =	vld.idx.msk [tilespmem:v1+s5+$0x0], $0xffff;
	_ =	sdelay $0x5  }
0xac: {  	(xrf2) =	vadd.scan.msk.f32 $0xffff, v1;
	_ =	sdelay $0x8  }
0xad: {  	v0 =	vbroadcast v0, $0xF  }
0xae: {  	v1, _, _ =	vpop (xrf2)  }
0xaf: {  	v0 =	vadd.f32 v1, v0;
	_ =	sdelay $0x1  }
0xb0: {  	[tilespmem:s0+$0xFFFFFFF0] =	vst v0  }
0xb1: {  	v1 =	vld [tilespmem:s1+$0x0];
	_ =	sdelay $0x7  }
0xb2: {  	v1 =	vld.idx.msk [tilespmem:v1+s5+$0x0], $0xffff;
	_ =	sdelay $0x5  }
0xb3: {  	(xrf2) =	vadd.scan.msk.f32 $0xffff, v1;
	_ =	sdelay $0x8  }
0xb4: {  	v0 =	vbroadcast v0, $0xF  }
0xb5: {  	v1, _, _ =	vpop (xrf2)  }
0xb6: {  	v0 =	vadd.f32 v1, v0;
	_ =	sdelay $0x1  }
0xb7: {  	[tilespmem:s0+$0x0] =	vst v0  }
0xb8: {  	v1 =	vld [tilespmem:s1+$0x10];
	_ =	sdelay $0x7  }
0xb9: {  	v1 =	vld.idx.msk [tilespmem:v1+s5+$0x0], $0xffff;
	_ =	sdelay $0x5  }
0xba: {  	(xrf2) =	vadd.scan.msk.f32 $0xffff, v1;
	_ =	sdelay $0x6  }
.Ltmp1:
0xbb: {  	(pc) =	sbr.rel @p0 .LBB2_5-.Ltmp1, $4  }
0xbc: {  	_ = 	snop  }
0xbd: {  	v0 =	vbroadcast v0, $0xF  }
0xbe: {  	v1, _, _ =	vpop (xrf2)  }
0xbf: {  	v0 =	vadd.f32 v1, v0  }
0xc0: {  	_ = 	snop  }
0xc1: {  	[tilespmem:s0+$0x10] =	vst v0  }
0xc2: {  	v1 =	vld [tilespmem:$0x1C680];
	_ =	sdelay $0x7  }
0xc3: {  	v1 =	vld.idx.msk [tilespmem:v1+s5+$0x0], $0xffff;
	_ =	sdelay $0x4  }
0xc4: {  	(xrf2) =	vadd.scan.msk.f32 $0xffff, v1;
	_ =	sdelay $0x5  }
0xc5: {  	v1 =	vld [tilespmem:$0x1C690];
	_ =	sdelay $0x2  }
0xc6: {  	v2 =	vbroadcast v0, $0xF  }
0xc7: {  	v3, _, _ =	vpop (xrf2)  }
0xc8: {  	v2 =	vadd.f32 v3, v2;
	_ =	sdelay $0x1  }
0xc9: {  	[tilespmem:$0x1E680] =	vst v2  }
0xca: {  	v1 =	vld.idx.msk [tilespmem:v1+s5+$0x0], $0xffff;
	_ =	sdelay $0x4  }
0xcb: {  	(xrf2) =	vadd.scan.msk.f32 $0xffff, v1;
	_ =	sdelay $0x8  }
0xcc: {  	v1 =	vbroadcast v2, $0xF  }
0xcd: {  	v2, _, _ =	vpop (xrf2)  }
0xce: {  	(v2sf) =	vpush v0, $0xF;
	v1 =	vadd.f32 v2, v1;
	_ =	sdelay $0x1  }
0xcf: {  	(v2sf) =	vpush v1, $0xF;
	_ =	sdelay $0x8  }
0xd0: {  	s30 =	sadd.s32 $0x1, s30  }
0xd1: {  	p0 =	sne.s32 s30, $0x19  }
.Ltmp2:
0xd2: {  	_ = 	snop;
	(pc) =	sbr.rel @p0 .LBB2_2-.Ltmp2, $4  }
0xd3: {  	_ = 	snop  }
0xd4: {  	s31 =	spop (v2sf);
	[tilespmem:$0x1E690] =	vst v1  }
0xd5: {  	[hbm4b:s4+s5] =	stream.linear.scatter [tilespmem:s17], [sflag:$0x4], $0xFA0, $0x38;
	[tilespmem:$0x1E780] =	vst v63  }
0xd6: {  	s0 =	spop (v2sf)  }
0xd7: {  	_ =	swait.ge [sflag:s24], $0xFA0  }
0xd8: {  	[sflag:s24] =	ssyncset.done $0x0  }
0xd9: {  	[sflag:s24] =	ssyncadd.s32 $0xFFFFF060  }
0xda: {  	_ =	swait.ge [sflag:s26], $0xFA0  }
0xdb: {  	v0 =	vbroadcast v1, $0xF;
	s29 =	sadd.s32 $0x1, s29;
	[sflag:s26] =	ssyncset.done $0x0  }
0xdc: {  	p0 =	sne.s32 s29, s14;
	[sflag:s26] =	ssyncadd.s32 $0xFFFFF060  }
.Ltmp3:
0xdd: {  	s0 =	simm.s32 $0x1E700;
	[tilespmem:$0x1E700] =	vst v0;
	(pc) =	sbr.rel @p0 .LBB2_1-.Ltmp3, $4  }
0xde: {  	[hbm4b:s13+s5] =	stream.linear.scatter [tilespmem:s0], [sflag:$0x5], $0x80, $0x38;
	[tilespmem:$0x1E780] =	vst v63  }
0xdf: {  	_ =	swait.ge [sflag:s15], $0x80  }
0xe0: {  	[sflag:s15] =	ssyncset.done $0x0  }
0xe1: {  	[sflag:s15] =	ssyncadd.s32 $0xFFFFFF80  }
0xe2: {  	_ =	sfence.sel $0x180000  }
0xe3: {  	[bflag:$0x0] =	sbarrier.arrive $0xFFFF  }
0xe4: {  	_ =	strace $0x90000047  }
0xe5: {  	s0 =	stileid.u32;
	[bflag:$0x2] =	sbarrier.arrive $0xFFFF  }
0xe6: {  	p0 =	sne.s32 s0, $0x0;
	s0 =	rddreg [dreg:$0x5]  }
0xe7: {  	s0 =	sadd.s32 @!p0 $0x100000, s0  }
0xe8: {  	[sflag:s0] =	ssyncadd.tile.s32 @!p0 $0x1;
	_ =	shalt  }
.Lfunc_end2:
_tile_overlayer_lowered:
.L_overlay_start_2:
0xe9: {  	(tag) =	ssettag $0x2  }
0xea: {  	s0 =	rddreg [dreg:$0x0];
	s2 =	stileid.u32  }
0xeb: {  	s1 =	rddreg [dreg:$0x1];
	p0 =	sne.s32 s2, $0x0  }
0xec: {  	s3 =	rddreg [dreg:$0x2];
	[bflag:$0x3] =	sbarrier.arrive $0xFFFF;
	s2 =	simm.s32 @!p0 $0x1C05  }
0xed: {  	[timem:s3], [sflag:s2] =	dma.local @!p0 [hbm:s0], s1  }
0xee: {  	s0 =	simm.s32 @!p0 $0x5  }
0xef: {  	_ =	swait.ge @!p0 [sflag:s0], s1  }
0xf0: {  	s1 =	ssub.s32 @!p0 $0x0, s1;
	[sflag:s0] =	ssyncset.done @!p0 $0x0  }
0xf1: {  	[sflag:s0] =	ssyncadd.s32 @!p0 s1  }
0xf2: {  	[bflag:$0x3] =	sbarrier.arrive $0xFFFF  }
0xf3: {  	_ =	shalt  }

// kernel: kernel.7.cloned.1.call-start
scs
__scs_entry_jumppad:
0x0: {  	(pc) =	sbr.rel $0x88, $3  }
0x1: {  	(tag) =	ssettag $0x0;
	lr =	simm.s32 $0x1  }
0x2: {  	[smem:$0x3F9D] =	sst lr;
	_ =	strace $0xD0000000  }
0x3: {  	_ = 	snop  }
0x4: {  	_ = 	snop  }
0x5: {  	_ = 	snop  }
0x6: {  	_ = 	snop  }
0x7: {  	_ = 	snop  }
__scs_overlays_trampoline_lowered:
0x8: {  	[smem:$0x3FAC] =	sst s0  }
0x9: {  	[smem:$0x3FAD] =	sst s1  }
0xa: {  	[smem:$0x3FAE] =	sst s2  }
0xb: {  	[smem:$0x3FAF] =	sst s3  }
0xc: {  	[smem:$0x3FB0] =	sst s4  }
0xd: {  	[smem:$0x3FB1] =	sst s5  }
0xe: {  	[smem:$0x3FB2] =	sst s6  }
0xf: {  	[smem:$0x3FB3] =	sst s7  }
0x10: {  	[smem:$0x3FB4] =	sst s8  }
0x11: {  	[smem:$0x3FB5] =	sst s9;
	s0 =	simm.s32 @!p0 $0x0  }
0x12: {  	s1 =	sld [smem:$0x3F9B];
	s0 =	simm.s32 @p0 $0x1  }
0x13: {  	[smem:$0x3FB6] =	sst s0;
	s0 =	simm.s32 @!p1 $0x0  }
0x14: {  	s2 =	sld [smem:$0x3F9A];
	s0 =	simm.s32 @p1 $0x1  }
0x15: {  	[smem:$0x3FB7] =	sst s0;
	s0 =	simm.s32 @!p2 $0x0  }
0x16: {  	s3 =	sld [smem:$0x3FDB];
	s0 =	simm.s32 @p2 $0x1  }
0x17: {  	s4 =	simm.s32 $0x1BF5;
	[smem:$0x3FB9] =	sst s0  }
0x18: {  	s0 =	sld [smem:$0x3F9C];
	_ =	swait.ge [sflag:s4], $0x0  }
0x19: {  	s7 =	sld [smem:$0x3F9D]  }
0x1a: {  	s8 =	sadd.s32 $0xFFFFE003, lr  }
0x1b: {  	s9 =	sadd.s32 $0xFFFFFEF7, lr;
	s5 =	simm.s32 $0xFFFFFFFF;
	p2 =	slt.u32 s8, $0xFFFFF086  }
0x1c: {  	p1 =	slt.u32 s9, $0xF7A;
	s5 =	simm.s32 @!p2 $0x0  }
0x1d: {  	s5 =	simm.s32 @p1 $0x1;
	p0 =	seq.s32 s7, s2  }
0x1e: {  	s7 =	smul.u32 @!p0 $0xF7A, s2;
	p2 =	seq.s32 @!p0 s5, $0x0  }
0x1f: {  	s9 =	smul.u32 $0xF7A, s1;
	s8 =	simm.s32 @!p0 $0x1BF5;
	p2 =	por !p2, p0  }
0x20: {  	[sflag:s8] =	ssyncset.s32 @!p0 $0xFFFFF086;
	s6 =	sadd.s32 @!p0 s3, s7;
	s7 =	simm.s32 @!p0 $0x108  }
0x21: {  	s3 =	sadd.s32 s3, s9;
	s6 =	sadd.s32 @!p0 $0x88, s6;
	s7 =	simm.s32 @p2 $0x1082  }
0x22: {  	[simem:s7], [sflag:s8] =	dma.local @!p0 [hbm:s6], $0xF7A  }
0x23: {  	s9 =	sor.u32 $0xD0000000, s2;
	s6 =	simm.s32 $0x108;
	_ =	swait.ge @!p0 [sflag:s8], $0x0  }
0x24: {  	s3 =	sadd.s32 $0x88, s3;
	s6 =	simm.s32 @!p1 $0x1082;
	[sflag:s4] =	ssyncset.s32 $0xFFFFF086  }
0x25: {  	[simem:s6], [sflag:s4] =	dma.local [hbm:s3], $0xF7A  }
0x26: {  	[smem:$0x3F9D] =	sst s1;
	(tag) =	ssettag s2;
	_ =	strace s9  }
0x27: {  	s1 =	sld [smem:$0x3FAD]  }
0x28: {  	s2 =	sld [smem:$0x3FAE]  }
0x29: {  	s4 =	sld [smem:$0x3FB0]  }
0x2a: {  	p0 =	seq.s32 s5, $0x0;
	s5 =	sld [smem:$0x3FB1]  }
0x2b: {  	s6 =	sld [smem:$0x3FB2]  }
0x2c: {  	s7 =	sld [smem:$0x3FB3]  }
0x2d: {  	s3 =	simm.s32 $0x108;
	s8 =	sld [smem:$0x3FB4]  }
0x2e: {  	s3 =	simm.s32 @!p0 $0x1082;
	s9 =	sld [smem:$0x3FB5]  }
0x2f: {  	lr =	sadd.s32 s0, s3;
	s0 =	sld [smem:$0x3FAC]  }
0x30: {  	s3 =	sld [smem:$0x3FAF]  }
0x31: {  	[smem:$0x3FB8] =	sst s10  }
0x32: {  	s10 =	sld [smem:$0x3FB6];
	_ =	sdelay $0x3  }
0x33: {  	p0 =	seq.s32 s10, $0x1;
	s10 =	sld [smem:$0x3FB8];
	_ =	sdelay $0x3  }
0x34: {  	[smem:$0x3FB8] =	sst s10  }
0x35: {  	s10 =	sld [smem:$0x3FB7];
	_ =	sdelay $0x3  }
0x36: {  	p1 =	seq.s32 s10, $0x1;
	s10 =	sld [smem:$0x3FB8];
	_ =	sdelay $0x3  }
0x37: {  	[smem:$0x3FB8] =	sst s10  }
0x38: {  	s10 =	sld [smem:$0x3FB9]  }
0x39: {  	_ = 	snop;
	(pc) =	sbr.ind lr, $3  }
0x3a: {  	_ = 	snop  }
0x3b: {  	_ = 	snop  }
0x3c: {  	p2 =	seq.s32 s10, $0x1;
	s10 =	sld [smem:$0x3FB8]  }
0x3d: {  	_ =	shalt  }
0x3e: {  	_ =	shalt  }
0x3f: {  	_ =	shalt  }
0x40: {  	_ =	shalt  }
0x41: {  	_ =	shalt  }
0x42: {  	_ =	shalt  }
0x43: {  	_ =	shalt  }
0x44: {  	_ =	shalt  }
0x45: {  	_ =	shalt  }
0x46: {  	_ =	shalt  }
0x47: {  	_ =	shalt  }
0x48: {  	_ =	shalt  }
0x49: {  	_ =	shalt  }
0x4a: {  	_ =	shalt  }
0x4b: {  	_ =	shalt  }
0x4c: {  	_ =	shalt  }
0x4d: {  	_ =	shalt  }
0x4e: {  	_ =	shalt  }
0x4f: {  	_ =	shalt  }
0x50: {  	_ =	shalt  }
0x51: {  	_ =	shalt  }
0x52: {  	_ =	shalt  }
0x53: {  	_ =	shalt  }
0x54: {  	_ =	shalt  }
0x55: {  	_ =	shalt  }
0x56: {  	_ =	shalt  }
0x57: {  	_ =	shalt  }
0x58: {  	_ =	shalt  }
0x59: {  	_ =	shalt  }
0x5a: {  	_ =	shalt  }
0x5b: {  	_ =	shalt  }
0x5c: {  	_ =	shalt  }
0x5d: {  	_ =	shalt  }
0x5e: {  	_ =	shalt  }
0x5f: {  	_ =	shalt  }
0x60: {  	_ =	shalt  }
0x61: {  	_ =	shalt  }
0x62: {  	_ =	shalt  }
0x63: {  	_ =	shalt  }
0x64: {  	_ =	shalt  }
0x65: {  	_ =	shalt  }
0x66: {  	_ =	shalt  }
0x67: {  	_ =	shalt  }
0x68: {  	_ =	shalt  }
0x69: {  	_ =	shalt  }
0x6a: {  	_ =	shalt  }
0x6b: {  	_ =	shalt  }
0x6c: {  	_ =	shalt  }
0x6d: {  	_ =	shalt  }
0x6e: {  	_ =	shalt  }
0x6f: {  	_ =	shalt  }
0x70: {  	_ =	shalt  }
0x71: {  	_ =	shalt  }
0x72: {  	_ =	shalt  }
0x73: {  	_ =	shalt  }
0x74: {  	_ =	shalt  }
0x75: {  	_ =	shalt  }
0x76: {  	_ =	shalt  }
0x77: {  	_ =	shalt  }
0x78: {  	_ =	shalt  }
0x79: {  	_ =	shalt  }
0x7a: {  	_ =	shalt  }
0x7b: {  	_ =	shalt  }
0x7c: {  	_ =	shalt  }
0x7d: {  	_ =	shalt  }
0x7e: {  	_ =	shalt  }
0x7f: {  	_ =	shalt  }
0x80: {  	_ =	shalt  }
0x81: {  	_ =	shalt  }
0x82: {  	_ =	shalt  }
0x83: {  	_ =	shalt  }
0x84: {  	_ =	shalt  }
0x85: {  	_ =	shalt  }
0x86: {  	_ =	shalt  }
0x87: {  	_ =	shalt  }
.Lfunc_end0:
.L_simem_size_0:
called_computation.1_lowered:
.L_overlay_start_0:
0x88: {  	s2 =	sld [smem:$0x3FD9]  }
0x89: {  	s3 =	sld [smem:$0x3FFE];
	_ =	sdelay $0x1  }
0x8a: {  	s1 =	srdreg.scid  }
0x8b: {  	s0 =	sand.u32 $0x1, s1  }
0x8c: {  	s16 =	sshll.u32 s0, $0xA;
	s2 =	sadd.s32 s3, s2  }
0x8d: {  	s2 =	sadd.s32 s2, s16  }
0x8e: {  	[smem:$0x3FC4] =	sst s2  }
0x8f: {  	_ = 	snop  }
0x90: {  	(tm) =	ssettm $0x1  }
0x91: {  	s17 =	sld [smem:$0x3FFB];
	_ =	sdelay $0x3  }
0x92: {  	_ =	strace s17  }
0x93: {  	s2 =	sld [smem:$0x3FFC];
	_ =	sdelay $0x3  }
0x94: {  	_ =	strace s2  }
0x95: {  	s2 =	sld [smem:$0x3FFD];
	_ =	sdelay $0x3  }
0x96: {  	_ =	strace s2  }
0x97: {  	_ =	strace $0x8FFFFFFF  }
0x98: {  	s18 =	sld [smem:$0x3FDB];
	_ =	sdelay $0x1  }
0x99: {  	s19 =	simm.s32 $_scs_section_size  }
0x9a: {  	s4 =	simm.s32 $_size__tile_overlayer_lowered;
	s5 =	simm.s32 $_tile_overlayer_lowered  }
0x9b: {  	s22 =	simm.s32 $0x1BFF;
	s21 =	sshll.u32 s5, $0x1;
	s2 =	sadd.s32 s19, s18  }
0x9c: {  	s6 =	simm.s32 $0x0;
	s20 =	sshll.u32 s4, $0x1;
	s4 =	sadd.s32 s21, s2  }
0x9d: {  	[timem:s6], [sflag:s22] =	dma.local [hbm:s4], s20  }
0x9e: {  	_ =	swait.ge [sflag:s22], s20  }
0x9f: {  	s3 =	ssub.s32 $0x0, s20;
	[sflag:s22] =	ssyncset.done $0x0  }
0xa0: {  	[sflag:s22] =	ssyncadd.s32 s3;
	_ =	sdelay $0x1  }
0xa1: {  	s23 =	simm.s32 $0x1B8B  }
0xa2: {  	_ =	swait.ge [sflag:s23], $0x1  }
0xa3: {  	[sflag:s23] =	ssyncset.done $0x0  }
0xa4: {  	s25 =	simm.s32 $0x1B8E;
	s24 =	sld [smem:$0x3FFE];
	[sflag:s23] =	ssyncadd.s32 $0xFFFFFFFF  }
0xa5: {  	s26 =	simm.s32 $execute0_lowered;
	[smem:$0x3FD2] =	sst s25  }
0xa6: {  	s4 =	sshll.u32 s26, $0x1;
	_ =	strace $0x80000049;
	[dreg:$0x1] =	wrdreg $0xFFFFFFFF  }
0xa7: {  	s28 =	simm.s32 $_size_execute0_lowered;
	s2 =	sadd.s32 s2, s4;
	[dreg:$0x0] =	wrdreg $0x0  }
0xa8: {  	s4 =	sshll.u32 s28, $0x1;
	[dreg:$0x2] =	wrdreg s2  }
0xa9: {  	[dreg:$0x3] =	wrdreg s4  }
0xaa: {  	[dreg:$0x4] =	wrdreg $0xC0  }
0xab: {  	_ =	task [dreg:s6], $0x5FFFF  }
0xac: {  	[dreg:$0x1] =	wrdreg $0xFFFFFFFF  }
0xad: {  	[dreg:$0x0] =	wrdreg $0x60  }
0xae: {  	[dreg:$0x2] =	wrdreg s24  }
0xaf: {  	[dreg:$0x3] =	wrdreg $0x9  }
0xb0: {  	_ =	task.clear_ibuf [dreg:s6], $0x4FFFF;
	_ =	strace $0x90000049  }
0xb1: {  	s29 =	simm.s32 $0x9;
	_ =	strace $0x8000004B  }
0xb2: {  	_ =	swait.ge [sflag:s29], $0x1  }
0xb3: {  	[sflag:s29] =	ssyncadd.s32 $0xFFFFFFFF  }
0xb4: {  	_ =	strace $0x9000004B  }
0xb5: {  	_ =	sfence  }
0xb6: {  	s30 =	sld [smem:$0x0];
	_ =	sdelay $0x2  }
0xb7: {  	s31 =	sshll.u32 s1, $0xD;
	s1 =	sshrl.u32 s1, $0x2  }
0xb8: {  	s3 =	sand.u32 $0x4000, s31;
	s1 =	sadd.s32 s1, s30  }
0xb9: {  	s0 =	sor.u32 s3, s0;
	s1 =	sshll.u32 s1, $0x11  }
0xba: {  	s0 =	sor.u32 s1, s0  }
0xbb: {  	s0 =	sadd.s32 $0x8F2B, s0  }
0xbc: {  	[sflag:s0] =	ssyncadd.remote.s32 $0x1  }
0xbd: {  	_ =	sfence.sel $0xFFFF  }
0xbe: {  	[dreg:$0x0] =	wrdreg $0xFFFFFFFF;
	(pc) =	sbr.abs _section_cstart, $3  }
0xbf: {  	[dreg:$0x1] =	wrdreg $0xFFFFFFFF  }
0xc0: {  	_ =	task.clear_ibuf [dreg:s6], $0x2FFFF;
	_ =	strace $0x9FFFFFFF  }
0xc1: {  	(tm) =	ssettm $0x7FFFFFFF  }
tec
execute0_lowered:
.L_overlay_start_1:
0x0: {  	(tag) =	ssettag $0x1  }
0x1: {  	s6 =	rddreg [dreg:$0x0]  }
0x2: {  	s0 =	rddreg [dreg:$0x1];
	s1 =	simm.s32 $0x0  }
0x3: {  	s4 =	srdreg.scid;
	s2 =	stileid.u32;
	s11 =	simm.s32 $0x640  }
0x4: {  	s12 =	simm.s32 $0x780;
	s13 =	simm.s32 $0x1480;
	s14 =	simm.s32 $0x1  }
0x5: {  	s15 =	simm.s32 $0xE00;
	s16 =	simm.s32 $0x1B00;
	s17 =	simm.s32 $0x80  }
0x6: {  	s18 =	simm.s32 $0x2180;
	s19 =	simm.s32 $0x0;
	[smem:$0x7FF] =	sst s1  }
0x7: {  	s3 =	sadd.s32 $0xA00, s6;
	s7 =	sand.u32 $0x1, s4;
	s4 =	sadd.s32 $0xC7400, s6  }
0x8: {  	s9 =	sshll.u32 s2, $0x1;
	s5 =	sadd.s32 $0xC4000, s6;
	s8 =	ssub.s32 $0x2, s7  }
0x9: {  	s6 =	sadd.s32 $0xC7600, s6;
	_ =	strace $0x8000004A;
	s10 =	sshrl.u32 s8, $0x1  }
0xa: {  	s7 =	sor.u32 s7, s9;
	s9 =	simm.s32 $0x2;
	s8 =	ssub.s32 s8, s10  }
0xb: {  	v0 =	vimm.s32 $0x0;
	s7 =	smul.u32 $0xC80, s7;
	s10 =	simm.s32 $0x100;
	s8 =	smax.u32 s8, $0x1  }
.LBB2_1:
0xc: {  	[tilespmem:s1], [sflag:$0x2] =	stream.linear.gather [hbm4b:s4+s1], $0x80, $0x38;
	[tilespmem:$0x2800] =	vst v63  }
0xd: {  	_ =	swait.ge [sflag:s9], $0x80  }
0xe: {  	[sflag:s9] =	ssyncset.done $0x0  }
0xf: {  	[sflag:s9] =	ssyncadd.s32 $0xFFFFFF80  }
0x10: {  	v1 =	vld [tilespmem:$0x0]  }
0x11: {  	v2 =	vld [tilespmem:$0x10];
	_ =	sdelay $0x3  }
0x12: {  	(xrf2) =	vadd.scan.msk.f32 $0xffff, v1  }
0x13: {  	(xrf2) =	vadd.scan.msk.f32 $0xffff, v2;
	_ =	sdelay $0x8  }
0x14: {  	v3, _, _ =	vpop (xrf2)  }
0x15: {  	v4, _, _ =	vpop (xrf2)  }
0x16: {  	v63 =	vbroadcast v3, $0xF;
	v2 =	vsub.f32 v4, v2  }
0x17: {  	v1 =	vsub.f32 v3, v1  }
0x18: {  	v2 =	vadd.f32 v2, v63  }
0x19: {  	[tilespmem:$0x80] =	vst v1  }
0x1a: {  	p1 =	por $0x1, $0x1;
	s20 =	simm.s32 $0x0;
	[tilespmem:$0x90] =	vst v2  }
.LBB2_2:
0x1b: {  	s20 =	sadd.s32 s7, s20  }
0x1c: {  	s20 =	sshrl.u32 s20, $0x3  }
0x1d: {  	s22 =	simm.s32 $0x0;
	s21 =	sadd.s32 s5, s20  }
0x1e: {  	[tilespmem:s10], [sflag:$0x2] =	stream.linear.gather [hbm4b:s21+s22], $0x648, $0x38;
	[tilespmem:$0x2800] =	vst v63  }
0x1f: {  	_ =	swait.ge [sflag:s9], $0x648  }
0x20: {  	[sflag:s9] =	ssyncset.done $0x0  }
0x21: {  	s21 =	simm.s32 $0x0;
	[sflag:s9] =	ssyncadd.s32 $0xFFFFF9B8  }
0x22: {  	v1 =	vld [tilespmem:s21+$0x100]  }
0x23: {  	v2 =	vld [tilespmem:s21+$0x101];
	_ =	sdelay $0x1  }
0x24: {  	p0 =	por p1, p1;
	s22 =	simm.s32 $0x40  }
.LBB2_3:
0x25: {  	p1 =	sne.s32 s22, $0x18C0  }
.Ltmp0:
0x26: {  	s23 =	sshra.s32 s22, $0x2;
	s22 =	sadd.s32 $0x40, s22;
	v3 =	vadd.s32 $0xFFFFFFFF, v1;
	(pc) =	sbr.rel @p1 .LBB2_3-.Ltmp0, $4  }
0x27: {  	v1 =	vld [tilespmem:s23+$0x100];
	v4 =	vadd.s32 $0xFFFFFFFF, v2;
	vm0 =	vgt.s32 v3, $0x0  }
0x28: {  	v2 =	vld [tilespmem:s23+$0x101];
	vm1 =	vgt.s32 v4, $0x0;
	v3 =	vnsel vm0, $0x0, v3  }
0x29: {  	v4 =	vnsel vm1, $0x0, v4;
	[tilespmem:s21+$0xE00] =	vst v3  }
0x2a: {  	[tilespmem:s21+$0x780] =	vst v4;
	s21 =	smov.u32 s23  }
0x2b: {  	_ = 	snop  }
0x2c: {  	v1 =	vadd.s32 $0xFFFFFFFF, v1  }
0x2d: {  	v2 =	vadd.s32 $0xFFFFFFFF, v2;
	vm0 =	vgt.s32 v1, $0x0  }
0x2e: {  	vm1 =	vgt.s32 v2, $0x0;
	v1 =	vnsel vm0, $0x0, v1  }
0x2f: {  	v2 =	vnsel vm1, $0x0, v2;
	[tilespmem:s21+$0xE00] =	vst v1  }
0x30: {  	[tilespmem:s21+$0x780] =	vst v2  }
0x31: {  	[tilespmem:s13], [sflag:$0x1] =	stream.indirect.gather [hbm4b:s3+s11], $0x1, s12, s11, $0xb8;
	[tilespmem:$0x2800] =	vst v63  }
0x32: {  	_ =	swait.ge [sflag:s14], $0x640  }
0x33: {  	[sflag:s14] =	ssyncset.done $0x0  }
0x34: {  	[sflag:s14] =	ssyncadd.s32 $0xFFFFF9C0  }
0x35: {  	[tilespmem:s16], [sflag:$0x1] =	stream.indirect.gather [hbm4b:s3+s11], $0x1, s15, s11, $0xb8;
	[tilespmem:$0x2800] =	vst v63  }
0x36: {  	_ =	swait.ge [sflag:s14], $0x640  }
0x37: {  	[sflag:s14] =	ssyncset.done $0x0  }
0x38: {  	s22 =	simm.s32 $0x0;
	[sflag:s14] =	ssyncadd.s32 $0xFFFFF9C0  }
0x39: {  	v1 =	vld [tilespmem:s22+$0x101]  }
0x3a: {  	v2 =	vld [tilespmem:s22+$0x100];
	_ =	sdelay $0x3  }
0x3b: {  	v1 =	vadd.s32 $0xFFFFFFFF, v1  }
0x3c: {  	v2 =	vadd.s32 $0xFFFFFFFF, v2;
	vm1 =	vlt.s32 v1, $0x0  }
0x3d: {  	vm0 =	vlt.s32 v2, $0x0;
	v3 =	vsel vm1, $0x0, v1  }
0x3e: {  	v4 =	vsel vm0, $0x0, v2;
	v5 =	vmulhi.u32 $0x14F8B589, v3  }
0x3f: {  	v6 =	vmulhi.u32 $0x14F8B589, v4  }
0x40: {  	v5 =	vshrl.u32 v5, $0xE  }
0x41: {  	s21 =	simm.s32 $0x10;
	v6 =	vshrl.u32 v6, $0xE;
	v8 =	vmul.u32 $0xFFFCF2C0, v5  }
0x42: {  	v10 =	vld [tilespmem:s21+$0x100];
	v3 =	vsub.s32 $0x0, v3;
	v9 =	vmul.u32 $0xFFFCF2C0, v6  }
0x43: {  	v7 =	vld [tilespmem:s21+$0x101];
	vm2 =	vlt.s32 v1, $0x1;
	v1 =	vsub.s32 $0x0, v4;
	vm3 =	vne.s32 v8, v3  }
0x44: {  	vm4 =	vlt.s32 v2, $0x1;
	vm5 =	vne.s32 v9, v1;
	vm2 =	vmand vm2, vm3  }
0x45: {  	vm3 =	vmand vm4, vm5;
	v1 =	vsel vm2, $0xFFFFFFFF, v0  }
0x46: {  	v2 =	vadd.s32 v1, v5;
	v1 =	vsel vm3, $0xFFFFFFFF, v0  }
0x47: {  	v9 =	vadd.s32 $0xFFFFFFFF, v10;
	v3 =	vadd.s32 v1, v6  }
0x48: {  	v7 =	vadd.s32 $0xFFFFFFFF, v7;
	vm4 =	vlt.s32 v9, $0x0  }
0x49: {  	v11 =	vsel vm4, $0x0, v9;
	vm3 =	vlt.s32 v7, $0x0  }
0x4a: {  	v10 =	vsel vm3, $0x0, v7;
	v1 =	vld [tilespmem:s22+$0x1480];
	v6 =	vmulhi.u32 $0x14F8B589, v11  }
0x4b: {  	vm1 =	vmmov vm1;
	v4 =	vmulhi.u32 $0x14F8B589, v10;
	v2 =	vld.idx.msk [tilespmem:v2+s17+$0x0], $0xffff  }
0x4c: {  	vm0 =	vmmov vm0;
	vm6 =	vlt.s32 v9, $0x1;
	vm2 =	vmmov vm1;
	v5 =	vld.idx.msk [tilespmem:v3+s17+$0x0], $0xffff  }
0x4d: {  	s23 =	simm.s32 $0x20;
	vm1 =	vmmov vm3;
	v4 =	vshrl.u32 v4, $0xE;
	v3 =	vshrl.u32 v6, $0xE;
	v6 =	vld [tilespmem:s22+$0x1B00]  }
0x4e: {  	v8 =	vld [tilespmem:s23+$0x101];
	vm3 =	vmmov vm0;
	v12 =	vmul.u32 $0xFFFCF2C0, v4;
	v13 =	vmul.u32 $0xFFFCF2C0, v3  }
0x4f: {  	vm0 =	vmmov vm4;
	v11 =	vsub.s32 $0x0, v11;
	v10 =	vsub.s32 $0x0, v10  }
0x50: {  	s24 =	simm.s32 $0xC0;
	vm4 =	vlt.s32 v7, $0x1;
	v7 =	vld [tilespmem:s23+$0x100];
	vm5 =	vne.s32 v12, v10;
	vm7 =	vne.s32 v13, v11  }
.LBB2_5:
0x51: {  	p1 =	sne.s32 s24, $0x18C0;
	vm4 =	vmand vm4, vm5;
	vm5 =	vmand vm6, vm7  }
0x52: {  	v1 =	vadd.f32 v1, v2;
	v9 =	vsel vm4, $0xFFFFFFFF, v0;
	v2 =	vadd.f32 v6, v5  }
0x53: {  	v5 =	vsel vm5, $0xFFFFFFFF, v0;
	v10 =	vadd.s32 $0xFFFFFFFF, v8;
	v4 =	vadd.s32 v9, v4  }
0x54: {  	v3 =	vadd.s32 v5, v3;
	v1 =	vsel vm2, $0x0, v1;
	v2 =	vsel vm3, $0x0, v2  }
0x55: {  	vm3 =	vlt.s32 v10, $0x0;
	v9 =	vadd.s32 $0xFFFFFFFF, v7;
	v2 =	vsub.f32 v1, v2  }
0x56: {  	vm2 =	vmmov vm1;
	v7 =	vsel vm3, $0x0, v10;
	vm4 =	vlt.s32 v9, $0x0  }
0x57: {  	vm1 =	vmmov vm3;
	v6 =	vmulhi.u32 $0x14F8B589, v7;
	v11 =	vsel vm4, $0x0, v9;
	v1 =	vld [tilespmem:s21+$0x1480];
	[tilespmem:s22+$0x2180] =	vst v2;
	s22 =	smov.u32 s21;
	s21 =	smov.u32 s23  }
0x58: {  	vm3 =	vmmov vm0;
	vm0 =	vmmov vm4;
	v8 =	vmulhi.u32 $0x14F8B589, v11;
	v2 =	vld.idx.msk [tilespmem:v4+s17+$0x0], $0xffff  }
.Ltmp1:
0x59: {  	v5 =	vld.idx.msk [tilespmem:v3+s17+$0x0], $0xffff;
	(pc) =	sbr.rel @p1 .LBB2_5-.Ltmp1, $4  }
0x5a: {  	s23 =	sshra.s32 s24, $0x2;
	v4 =	vshrl.u32 v6, $0xE;
	v3 =	vshrl.u32 v8, $0xE;
	v6 =	vld [tilespmem:s22+$0x1B00]  }
0x5b: {  	v12 =	vmul.u32 $0xFFFCF2C0, v4;
	v8 =	vld [tilespmem:s23+$0x101];
	v13 =	vmul.u32 $0xFFFCF2C0, v3  }
0x5c: {  	vm4 =	vlt.s32 v10, $0x1;
	v10 =	vsub.s32 $0x0, v7;
	v11 =	vsub.s32 $0x0, v11  }
0x5d: {  	vm6 =	vlt.s32 v9, $0x1;
	s24 =	sadd.s32 $0x40, s24;
	vm5 =	vne.s32 v12, v10;
	v7 =	vld [tilespmem:s23+$0x100];
	vm7 =	vne.s32 v13, v11  }
0x5e: {  	vm4 =	vmand vm4, vm5;
	vm13 =	vmand vm6, vm7  }
0x5f: {  	v1 =	vadd.f32 v1, v2;
	v9 =	vsel vm4, $0xFFFFFFFF, v0;
	v2 =	vadd.f32 v6, v5  }
0x60: {  	v56 =	vsel vm13, $0xFFFFFFFF, v0;
	v4 =	vadd.s32 v9, v4  }
0x61: {  	v3 =	vadd.s32 v56, v3;
	v1 =	vsel vm2, $0x0, v1;
	v2 =	vsel vm3, $0x0, v2  }
0x62: {  	v55 =	vadd.s32 $0xFFFFFFFF, v8;
	v1 =	vsub.f32 v1, v2  }
0x63: {  	vm14 =	vlt.s32 v55, $0x0;
	v57 =	vadd.s32 $0xFFFFFFFF, v7  }
0x64: {  	v58 =	vld [tilespmem:s21+$0x1480];
	v2 =	vsel vm14, $0x0, v55;
	vm15 =	vlt.s32 v57, $0x0;
	[tilespmem:s22+$0x2180] =	vst v1  }
0x65: {  	v60 =	vmulhi.u32 $0x14F8B589, v2;
	v59 =	vsel vm15, $0x0, v57;
	v4 =	vld.idx.msk [tilespmem:v4+s17+$0x0], $0xffff  }
0x66: {  	v1 =	vmulhi.u32 $0x14F8B589, v59;
	v3 =	vld.idx.msk [tilespmem:v3+s17+$0x0], $0xffff  }
0x67: {  	v9 =	vshrl.u32 v60, $0xE;
	v10 =	vld [tilespmem:s21+$0x1B00]  }
0x68: {  	v11 =	vmul.u32 $0xFFFCF2C0, v9;
	v1 =	vshrl.u32 v1, $0xE  }
0x69: {  	vm1 =	vmmov vm1;
	v2 =	vsub.s32 $0x0, v2;
	v12 =	vmul.u32 $0xFFFCF2C0, v1  }
0x6a: {  	vm9 =	vlt.s32 v55, $0x1;
	v61 =	vsub.s32 $0x0, v59;
	vm10 =	vne.s32 v11, v2  }
0x6b: {  	vm11 =	vlt.s32 v57, $0x1;
	vm4 =	vmand vm9, vm10;
	vm12 =	vne.s32 v12, v61  }
0x6c: {  	v2 =	vsel vm4, $0xFFFFFFFF, v0;
	v4 =	vadd.f32 v58, v4;
	v3 =	vadd.f32 v10, v3  }
0x6d: {  	vm0 =	vmmov vm0;
	vm13 =	vmand vm11, vm12;
	v2 =	vadd.s32 v2, v9  }
0x6e: {  	v62 =	vsel vm13, $0xFFFFFFFF, v0;
	v4 =	vsel vm1, $0x0, v4;
	v3 =	vsel vm0, $0x0, v3  }
0x6f: {  	v1 =	vadd.s32 v62, v1;
	v3 =	vsub.f32 v4, v3;
	_ =	sdelay $0x1  }
0x70: {  	v63 =	vld [tilespmem:s23+$0x1480];
	[tilespmem:s21+$0x2180] =	vst v3  }
0x71: {  	v2 =	vld.idx.msk [tilespmem:v2+s17+$0x0], $0xffff  }
0x72: {  	v3 =	vld [tilespmem:s23+$0x1B00]  }
0x73: {  	v1 =	vld.idx.msk [tilespmem:v1+s17+$0x0], $0xffff;
	_ =	sdelay $0x3  }
0x74: {  	vm14 =	vmmov vm14  }
0x75: {  	vm15 =	vmmov vm15;
	v2 =	vadd.f32 v63, v2;
	v1 =	vadd.f32 v3, v1  }
0x76: {  	vm0 =	vmmov vm14;
	vm1 =	vmmov vm15  }
0x77: {  	v2 =	vsel vm0, $0x0, v2;
	v1 =	vsel vm1, $0x0, v1  }
0x78: {  	v1 =	vsub.f32 v2, v1;
	_ =	sdelay $0x1  }
.Ltmp2:
0x79: {  	s20 =	sadd.s32 s6, s20;
	[tilespmem:s23+$0x2180] =	vst v1;
	(pc) =	sbr.rel @p0 .LBB2_2-.Ltmp2, $4  }
0x7a: {  	[hbm4b:s20+s1] =	stream.linear.scatter [tilespmem:s18], [sflag:$0x2], $0x640, $0x38;
	[tilespmem:$0x2800] =	vst v63  }
0x7b: {  	_ =	swait.ge [sflag:s9], $0x640  }
0x7c: {  	[sflag:s9] =	ssyncset.done $0x0  }
0x7d: {  	p1 =	por $0x0, $0x0;
	s20 =	simm.s32 $0x640;
	[sflag:s9] =	ssyncadd.s32 $0xFFFFF9C0  }
0x7e: {  	s19 =	sadd.s32 $0x1, s19  }
0x7f: {  	p0 =	sne.s32 s19, s8  }
.Ltmp3:
0x80: {  	_ = 	snop;
	(pc) =	sbr.rel @p0 .LBB2_1-.Ltmp3, $1  }
0x81: {  	_ =	sdelay $0x3  }
0x82: {  	_ =	sfence.sel $0x180000  }
0x83: {  	[bflag:$0x0] =	sbarrier.arrive $0xFFFF  }
0x84: {  	p0 =	sne.s32 s2, $0x0;
	_ =	strace $0x9000004A  }
0x85: {  	s0 =	sadd.s32 @!p0 $0x100000, s0;
	[bflag:$0x2] =	sbarrier.arrive $0xFFFF  }
0x86: {  	[sflag:s0] =	ssyncadd.tile.s32 @!p0 $0x1;
	_ =	shalt  }
.Lfunc_end2:
_tile_overlayer_lowered:
.L_overlay_start_2:
0x87: {  	(tag) =	ssettag $0x2  }
0x88: {  	s0 =	rddreg [dreg:$0x0];
	s2 =	stileid.u32  }
0x89: {  	s1 =	rddreg [dreg:$0x1];
	p0 =	sne.s32 s2, $0x0  }
0x8a: {  	s3 =	rddreg [dreg:$0x2];
	[bflag:$0x3] =	sbarrier.arrive $0xFFFF;
	s2 =	simm.s32 @!p0 $0x1C02  }
0x8b: {  	[timem:s3], [sflag:s2] =	dma.local @!p0 [hbm:s0], s1  }
0x8c: {  	s0 =	simm.s32 @!p0 $0x2  }
0x8d: {  	_ =	swait.ge @!p0 [sflag:s0], s1  }
0x8e: {  	s1 =	ssub.s32 @!p0 $0x0, s1;
	[sflag:s0] =	ssyncset.done @!p0 $0x0  }
0x8f: {  	[sflag:s0] =	ssyncadd.s32 @!p0 s1  }
0x90: {  	[bflag:$0x3] =	sbarrier.arrive $0xFFFF  }
0x91: {  	_ =	shalt  }

</sc_bundles>
